<compile_context>
chip_gen: v7x
topology: tpu7x:2x2x1
jax: 0.10.2.dev20260603
libtpu: 0.0.44.dev20260713+nightly
codegen_flags: <defaults>
</compile_context>

<pallas_src>
import functools

import jax
import jax.numpy as jnp
from jax import lax
from jax.experimental import pallas as pl
from jax.experimental.pallas import tpu as pltpu
from jax.experimental.pallas import tpu_sc as plsc

B = 16384
T = 16
NC = 2
NS = 16
NW = NC * NS
BPW = B // NW
CH = 128
NCH = BPW // CH
UNROLL = 8

_C = (5.621959008883515e-07, 0.9999574869, -0.4992065690, 0.3269731000,
      -0.2228362580, 0.1307650330, -0.0526248514, 0.0101190829)


def _softplus(x):
    m = jnp.maximum(x, 0.0)
    t = jnp.exp(-jnp.abs(x))
    p = jnp.full((16,), _C[7], dtype=jnp.float32)
    for k in range(6, -1, -1):
        p = p * t + _C[k]
    return m + p


def _sc_body(loss_hbm, idx_hbm, table_hbm, out_hbm, idx_v, rows_v, loss_v,
             out_v, gsem, lsem):
    wid = lax.axis_index("s") * NC + lax.axis_index("c")

    pltpu.sync_copy(idx_hbm.at[wid], idx_v)
    loss_cp = pltpu.async_copy(loss_hbm.at[wid], loss_v, lsem)
    gathers = [
        pltpu.async_copy(table_hbm.at[idx_v.at[j]],
                         rows_v.at[pl.ds(j * CH, CH)], gsem)
        for j in range(NCH)
    ]
    loss_cp.wait()
    for cp in gathers:
        cp.wait()

    def body(i, acc):
        base = i * UNROLL
        for u in range(UNROLL):
            x = rows_v[base + u]
            l = loss_v[base + u]
            acc = acc + _softplus(x) * l
        return acc

    acc = lax.fori_loop(0, BPW // UNROLL, body,
                        jnp.zeros((16,), dtype=jnp.float32))
    out_v[...] = acc
    pltpu.sync_copy(out_v, out_hbm.at[wid])


@jax.jit
def _run(losses_r, idx_r, table):
    mesh = plsc.VectorSubcoreMesh(core_axis_name="c", subcore_axis_name="s")
    f = functools.partial(
        pl.kernel,
        mesh=mesh,
        compiler_params=pltpu.CompilerParams(use_tc_tiling_on_sc=False),
        out_type=jax.ShapeDtypeStruct((NW, 16), jnp.float32),
        scratch_types=[
            pltpu.VMEM((NCH, CH), jnp.int32),
            pltpu.VMEM((BPW, T), jnp.float32),
            pltpu.VMEM((BPW, T), jnp.float32),
            pltpu.VMEM((16,), jnp.float32),
            pltpu.SemaphoreType.DMA,
            pltpu.SemaphoreType.DMA,
        ],
    )(_sc_body)
    return f(losses_r, idx_r, table)


def kernel(losses, sample_id, weights_table):
    idx_r = sample_id.astype(jnp.int32).reshape(NW, NCH, CH)
    losses_r = losses.reshape(NW, BPW, T)
    partials = _run(losses_r, idx_r, weights_table)
    return jnp.sum(partials) * (1.0 / B)

# --- scband reference (transcript-rebuilt; emitter-appended) ---
"""Pipeline reference for scband-naive-hyper-25563645345825 (READ-ONLY COPY).

The authoritative reference and input builder live on the scoring server;
editing this copy changes nothing except your own understanding.
"""

import jax, jax.numpy as jnp
import numpy as np

DATA_NUM = 1000000
TASK_NUM = 16
BATCH = 16384

def setup_inputs(seed: int = 0) -> dict:
    key = jax.random.key(seed)
    k1, k2, k3 = jax.random.split(key, 3)
    losses = jax.random.uniform(k1, (BATCH, TASK_NUM), dtype=jnp.float32)
    sample_id = jax.random.randint(k2, (BATCH,), 0, DATA_NUM, dtype=jnp.int64 if jax.config.jax_enable_x64 else jnp.int32)
    weights_table = jax.random.normal(k3, (DATA_NUM, TASK_NUM), dtype=jnp.float32)
    return {"losses": losses, "sample_id": sample_id, "weights_table": weights_table}

def reference(losses, sample_id, weights_table):
    # nn.Embedding lookup -> gather rows
    current_weight = jnp.take(weights_table, sample_id, axis=0)  # [B, task_num]
    # Softplus nonlinearity
    current_weight = jax.nn.softplus(current_weight)
    # (w * losses).mean(0).sum()
    final_loss = jnp.sum(jnp.mean(current_weight * losses, axis=0))
    return final_loss

if __name__ == "__main__":
    import jax
    _d = setup_inputs()
    print(jax.jit(kernel)(*tuple(_d.values())))

</pallas_src>

<mosaic_0001>
#map = affine_map<(d0, d1) -> (0, 0, 0)>
#map1 = affine_map<(d0, d1) -> (0, 0)>
module attributes {stable_mosaic.version = 14 : i64} {
  func.func @_sc_body(%arg0: i32, %arg1: i32, %arg2: memref<32x512x16xf32, #tpu.memory_space<hbm>>, %arg3: memref<32x4x128xi32, #tpu.memory_space<hbm>>, %arg4: memref<1000000x16xf32, #tpu.memory_space<hbm>>, %arg5: memref<32x16xf32, #tpu.memory_space<hbm>>, %arg6: memref<4x128xi32, #tpu.memory_space<vmem>>, %arg7: memref<512x16xf32, #tpu.memory_space<vmem>>, %arg8: memref<512x16xf32, #tpu.memory_space<vmem>>, %arg9: memref<16xf32, #tpu.memory_space<vmem>>, %arg10: memref<!tpu.dma_semaphore, #tpu.memory_space<semaphore_mem>>, %arg11: memref<!tpu.dma_semaphore, #tpu.memory_space<semaphore_mem>>) attributes {dimension_semantics = [#tpu.dimension_semantics<core_parallel>, #tpu.dimension_semantics<subcore_parallel>], iteration_bounds = array<i64: 2, 16>, scalar_prefetch = 0 : i64, scratch_operands = 6 : i64, tpu.core_type = #tpu.core_type<sc_vector_subcore>, window_params = [{transform_indices = #map}, {transform_indices = #map}, {transform_indices = #map1}, {transform_indices = #map1}]} {
    %mul3A = arith.constant 2 : i32
    %mul3A_0 = arith.muli %arg1, %mul3A : i32
    %add3A = arith.addi %mul3A_0, %arg0 : i32
    "tpu.region"() ({
      %run_scoped3A = tpu.sem_alloc : memref<!tpu.dma_semaphore, #tpu.memory_space<semaphore_mem>>
      %dma_start3A_104 = arith.constant 0 : i32
      %dma_start3A_105 = arith.constant 0 : i32
      %dma_start3A_106 = tpu.memref_slice %arg3[%add3A, %dma_start3A_104, %dma_start3A_105] : memref<32x4x128xi32, #tpu.memory_space<hbm>> -> memref<1x4x128xi32, #tpu.memory_space<hbm>>
      %dma_start3A_107 = tpu.memref_squeeze %dma_start3A_106 : memref<1x4x128xi32, #tpu.memory_space<hbm>> -> memref<4x128xi32, #tpu.memory_space<hbm>>
      %dma_start3A_108 = arith.constant 0 : i32
      %dma_start3A_109 = arith.constant 0 : i32
      %dma_start3A_110 = tpu.memref_slice %arg3[%add3A, %dma_start3A_108, %dma_start3A_109] : memref<32x4x128xi32, #tpu.memory_space<hbm>> -> memref<1x4x128xi32, #tpu.memory_space<hbm>>
      %dma_start3A_111 = tpu.memref_squeeze %dma_start3A_110 : memref<1x4x128xi32, #tpu.memory_space<hbm>> -> memref<4x128xi32, #tpu.memory_space<hbm>>
      tpu.enqueue_dma source(%dma_start3A_111 : memref<4x128xi32, #tpu.memory_space<hbm>>) target(%arg6 : memref<4x128xi32, #tpu.memory_space<vmem>>) target_semaphore(%run_scoped3A : memref<!tpu.dma_semaphore, #tpu.memory_space<semaphore_mem>>)
      %dma_wait3A_112 = arith.constant 0 : i32
      %dma_wait3A_113 = arith.constant 0 : i32
      %dma_wait3A_114 = tpu.memref_slice %arg3[%add3A, %dma_wait3A_112, %dma_wait3A_113] : memref<32x4x128xi32, #tpu.memory_space<hbm>> -> memref<1x4x128xi32, #tpu.memory_space<hbm>>
      %dma_wait3A_115 = tpu.memref_squeeze %dma_wait3A_114 : memref<1x4x128xi32, #tpu.memory_space<hbm>> -> memref<4x128xi32, #tpu.memory_space<hbm>>
      %dma_wait3A_116 = arith.constant 0 : i32
      %dma_wait3A_117 = arith.constant 0 : i32
      %dma_wait3A_118 = tpu.memref_slice %arg3[%add3A, %dma_wait3A_116, %dma_wait3A_117] : memref<32x4x128xi32, #tpu.memory_space<hbm>> -> memref<1x4x128xi32, #tpu.memory_space<hbm>>
      %dma_wait3A_119 = tpu.memref_squeeze %dma_wait3A_118 : memref<1x4x128xi32, #tpu.memory_space<hbm>> -> memref<4x128xi32, #tpu.memory_space<hbm>>
      tpu.wait_dma2 semaphore(%run_scoped3A : memref<!tpu.dma_semaphore, #tpu.memory_space<semaphore_mem>>) src(%dma_wait3A_119 : memref<4x128xi32, #tpu.memory_space<hbm>>) dst(%arg6 : memref<4x128xi32, #tpu.memory_space<vmem>>)
      tpu.yield
    }) : () -> ()
    %dma_start3A = arith.constant 0 : i32
    %dma_start3A_1 = arith.constant 0 : i32
    %dma_start3A_2 = tpu.memref_slice %arg2[%add3A, %dma_start3A, %dma_start3A_1] : memref<32x512x16xf32, #tpu.memory_space<hbm>> -> memref<1x512x16xf32, #tpu.memory_space<hbm>>
    %dma_start3A_3 = tpu.memref_squeeze %dma_start3A_2 : memref<1x512x16xf32, #tpu.memory_space<hbm>> -> memref<512x16xf32, #tpu.memory_space<hbm>>
    %dma_start3A_4 = arith.constant 0 : i32
    %dma_start3A_5 = arith.constant 0 : i32
    %dma_start3A_6 = tpu.memref_slice %arg2[%add3A, %dma_start3A_4, %dma_start3A_5] : memref<32x512x16xf32, #tpu.memory_space<hbm>> -> memref<1x512x16xf32, #tpu.memory_space<hbm>>
    %dma_start3A_7 = tpu.memref_squeeze %dma_start3A_6 : memref<1x512x16xf32, #tpu.memory_space<hbm>> -> memref<512x16xf32, #tpu.memory_space<hbm>>
    tpu.enqueue_dma source(%dma_start3A_7 : memref<512x16xf32, #tpu.memory_space<hbm>>) target(%arg8 : memref<512x16xf32, #tpu.memory_space<vmem>>) target_semaphore(%arg11 : memref<!tpu.dma_semaphore, #tpu.memory_space<semaphore_mem>>)
    %dma_start3A_8 = arith.constant 0 : i32
    %dma_start3A_9 = arith.constant 0 : i32
    %dma_start3A_10 = arith.constant 0 : i32
    %dma_start3A_11 = tpu.memref_slice %arg7[%dma_start3A_9, %dma_start3A_10] : memref<512x16xf32, #tpu.memory_space<vmem>> -> memref<128x16xf32, #tpu.memory_space<vmem>>
    %dma_start3A_12 = arith.constant 0 : i32
    %dma_start3A_13 = tpu.memref_slice %arg6[%dma_start3A_8, %dma_start3A_12] : memref<4x128xi32, #tpu.memory_space<vmem>> -> memref<1x128xi32, #tpu.memory_space<vmem>>
    %dma_start3A_14 = tpu.memref_squeeze %dma_start3A_13 : memref<1x128xi32, #tpu.memory_space<vmem>> -> memref<128xi32, #tpu.memory_space<vmem>>
    %dma_start3A_15 = arith.constant 0 : i32
    %dma_start3A_16 = arith.constant 0 : i32
    %dma_start3A_17 = tpu.memref_slice %arg4[%dma_start3A_15, %dma_start3A_16] : memref<1000000x16xf32, #tpu.memory_space<hbm>> -> memref<1000000x16xf32, #tpu.memory_space<hbm>>
    tpu.enqueue_indirect_dma source(%dma_start3A_17 : memref<1000000x16xf32, #tpu.memory_space<hbm>>) target(%dma_start3A_11 : memref<128x16xf32, #tpu.memory_space<vmem>>) offsets(%dma_start3A_14 : memref<128xi32, #tpu.memory_space<vmem>>) semaphore(%arg10 : memref<!tpu.dma_semaphore, #tpu.memory_space<semaphore_mem>>)
    %dma_start3A_18 = arith.constant 1 : i32
    %dma_start3A_19 = arith.constant 128 : i32
    %dma_start3A_20 = arith.constant 0 : i32
    %dma_start3A_21 = tpu.memref_slice %arg7[%dma_start3A_19, %dma_start3A_20] : memref<512x16xf32, #tpu.memory_space<vmem>> -> memref<128x16xf32, #tpu.memory_space<vmem>>
    %dma_start3A_22 = arith.constant 0 : i32
    %dma_start3A_23 = tpu.memref_slice %arg6[%dma_start3A_18, %dma_start3A_22] : memref<4x128xi32, #tpu.memory_space<vmem>> -> memref<1x128xi32, #tpu.memory_space<vmem>>
    %dma_start3A_24 = tpu.memref_squeeze %dma_start3A_23 : memref<1x128xi32, #tpu.memory_space<vmem>> -> memref<128xi32, #tpu.memory_space<vmem>>
    %dma_start3A_25 = arith.constant 0 : i32
    %dma_start3A_26 = arith.constant 0 : i32
    %dma_start3A_27 = tpu.memref_slice %arg4[%dma_start3A_25, %dma_start3A_26] : memref<1000000x16xf32, #tpu.memory_space<hbm>> -> memref<1000000x16xf32, #tpu.memory_space<hbm>>
    tpu.enqueue_indirect_dma source(%dma_start3A_27 : memref<1000000x16xf32, #tpu.memory_space<hbm>>) target(%dma_start3A_21 : memref<128x16xf32, #tpu.memory_space<vmem>>) offsets(%dma_start3A_24 : memref<128xi32, #tpu.memory_space<vmem>>) semaphore(%arg10 : memref<!tpu.dma_semaphore, #tpu.memory_space<semaphore_mem>>)
    %dma_start3A_28 = arith.constant 2 : i32
    %dma_start3A_29 = arith.constant 256 : i32
    %dma_start3A_30 = arith.constant 0 : i32
    %dma_start3A_31 = tpu.memref_slice %arg7[%dma_start3A_29, %dma_start3A_30] : memref<512x16xf32, #tpu.memory_space<vmem>> -> memref<128x16xf32, #tpu.memory_space<vmem>>
    %dma_start3A_32 = arith.constant 0 : i32
    %dma_start3A_33 = tpu.memref_slice %arg6[%dma_start3A_28, %dma_start3A_32] : memref<4x128xi32, #tpu.memory_space<vmem>> -> memref<1x128xi32, #tpu.memory_space<vmem>>
    %dma_start3A_34 = tpu.memref_squeeze %dma_start3A_33 : memref<1x128xi32, #tpu.memory_space<vmem>> -> memref<128xi32, #tpu.memory_space<vmem>>
    %dma_start3A_35 = arith.constant 0 : i32
    %dma_start3A_36 = arith.constant 0 : i32
    %dma_start3A_37 = tpu.memref_slice %arg4[%dma_start3A_35, %dma_start3A_36] : memref<1000000x16xf32, #tpu.memory_space<hbm>> -> memref<1000000x16xf32, #tpu.memory_space<hbm>>
    tpu.enqueue_indirect_dma source(%dma_start3A_37 : memref<1000000x16xf32, #tpu.memory_space<hbm>>) target(%dma_start3A_31 : memref<128x16xf32, #tpu.memory_space<vmem>>) offsets(%dma_start3A_34 : memref<128xi32, #tpu.memory_space<vmem>>) semaphore(%arg10 : memref<!tpu.dma_semaphore, #tpu.memory_space<semaphore_mem>>)
    %dma_start3A_38 = arith.constant 3 : i32
    %dma_start3A_39 = arith.constant 384 : i32
    %dma_start3A_40 = arith.constant 0 : i32
    %dma_start3A_41 = tpu.memref_slice %arg7[%dma_start3A_39, %dma_start3A_40] : memref<512x16xf32, #tpu.memory_space<vmem>> -> memref<128x16xf32, #tpu.memory_space<vmem>>
    %dma_start3A_42 = arith.constant 0 : i32
    %dma_start3A_43 = tpu.memref_slice %arg6[%dma_start3A_38, %dma_start3A_42] : memref<4x128xi32, #tpu.memory_space<vmem>> -> memref<1x128xi32, #tpu.memory_space<vmem>>
    %dma_start3A_44 = tpu.memref_squeeze %dma_start3A_43 : memref<1x128xi32, #tpu.memory_space<vmem>> -> memref<128xi32, #tpu.memory_space<vmem>>
    %dma_start3A_45 = arith.constant 0 : i32
    %dma_start3A_46 = arith.constant 0 : i32
    %dma_start3A_47 = tpu.memref_slice %arg4[%dma_start3A_45, %dma_start3A_46] : memref<1000000x16xf32, #tpu.memory_space<hbm>> -> memref<1000000x16xf32, #tpu.memory_space<hbm>>
    tpu.enqueue_indirect_dma source(%dma_start3A_47 : memref<1000000x16xf32, #tpu.memory_space<hbm>>) target(%dma_start3A_41 : memref<128x16xf32, #tpu.memory_space<vmem>>) offsets(%dma_start3A_44 : memref<128xi32, #tpu.memory_space<vmem>>) semaphore(%arg10 : memref<!tpu.dma_semaphore, #tpu.memory_space<semaphore_mem>>)
    %dma_wait3A = arith.constant 0 : i32
    %dma_wait3A_48 = arith.constant 0 : i32
    %dma_wait3A_49 = tpu.memref_slice %arg2[%add3A, %dma_wait3A, %dma_wait3A_48] : memref<32x512x16xf32, #tpu.memory_space<hbm>> -> memref<1x512x16xf32, #tpu.memory_space<hbm>>
    %dma_wait3A_50 = tpu.memref_squeeze %dma_wait3A_49 : memref<1x512x16xf32, #tpu.memory_space<hbm>> -> memref<512x16xf32, #tpu.memory_space<hbm>>
    %dma_wait3A_51 = arith.constant 0 : i32
    %dma_wait3A_52 = arith.constant 0 : i32
    %dma_wait3A_53 = tpu.memref_slice %arg2[%add3A, %dma_wait3A_51, %dma_wait3A_52] : memref<32x512x16xf32, #tpu.memory_space<hbm>> -> memref<1x512x16xf32, #tpu.memory_space<hbm>>
    %dma_wait3A_54 = tpu.memref_squeeze %dma_wait3A_53 : memref<1x512x16xf32, #tpu.memory_space<hbm>> -> memref<512x16xf32, #tpu.memory_space<hbm>>
    tpu.wait_dma2 semaphore(%arg11 : memref<!tpu.dma_semaphore, #tpu.memory_space<semaphore_mem>>) src(%dma_wait3A_54 : memref<512x16xf32, #tpu.memory_space<hbm>>) dst(%arg8 : memref<512x16xf32, #tpu.memory_space<vmem>>)
    %dma_wait3A_55 = arith.constant 0 : i32
    %dma_wait3A_56 = arith.constant 0 : i32
    %dma_wait3A_57 = arith.constant 0 : i32
    %dma_wait3A_58 = tpu.memref_slice %arg7[%dma_wait3A_56, %dma_wait3A_57] : memref<512x16xf32, #tpu.memory_space<vmem>> -> memref<128x16xf32, #tpu.memory_space<vmem>>
    %dma_wait3A_59 = arith.constant 0 : i32
    %dma_wait3A_60 = tpu.memref_slice %arg6[%dma_wait3A_55, %dma_wait3A_59] : memref<4x128xi32, #tpu.memory_space<vmem>> -> memref<1x128xi32, #tpu.memory_space<vmem>>
    %dma_wait3A_61 = tpu.memref_squeeze %dma_wait3A_60 : memref<1x128xi32, #tpu.memory_space<vmem>> -> memref<128xi32, #tpu.memory_space<vmem>>
    %dma_wait3A_62 = arith.constant 0 : i32
    %dma_wait3A_63 = arith.constant 0 : i32
    %dma_wait3A_64 = tpu.memref_slice %arg4[%dma_wait3A_62, %dma_wait3A_63] : memref<1000000x16xf32, #tpu.memory_space<hbm>> -> memref<1000000x16xf32, #tpu.memory_space<hbm>>
    tpu.wait_indirect_dma semaphore(%arg10 : memref<!tpu.dma_semaphore, #tpu.memory_space<semaphore_mem>>) src(%dma_wait3A_64 : memref<1000000x16xf32, #tpu.memory_space<hbm>>) dst(%dma_wait3A_58 : memref<128x16xf32, #tpu.memory_space<vmem>>)
    %dma_wait3A_65 = arith.constant 1 : i32
    %dma_wait3A_66 = arith.constant 128 : i32
    %dma_wait3A_67 = arith.constant 0 : i32
    %dma_wait3A_68 = tpu.memref_slice %arg7[%dma_wait3A_66, %dma_wait3A_67] : memref<512x16xf32, #tpu.memory_space<vmem>> -> memref<128x16xf32, #tpu.memory_space<vmem>>
    %dma_wait3A_69 = arith.constant 0 : i32
    %dma_wait3A_70 = tpu.memref_slice %arg6[%dma_wait3A_65, %dma_wait3A_69] : memref<4x128xi32, #tpu.memory_space<vmem>> -> memref<1x128xi32, #tpu.memory_space<vmem>>
    %dma_wait3A_71 = tpu.memref_squeeze %dma_wait3A_70 : memref<1x128xi32, #tpu.memory_space<vmem>> -> memref<128xi32, #tpu.memory_space<vmem>>
    %dma_wait3A_72 = arith.constant 0 : i32
    %dma_wait3A_73 = arith.constant 0 : i32
    %dma_wait3A_74 = tpu.memref_slice %arg4[%dma_wait3A_72, %dma_wait3A_73] : memref<1000000x16xf32, #tpu.memory_space<hbm>> -> memref<1000000x16xf32, #tpu.memory_space<hbm>>
    tpu.wait_indirect_dma semaphore(%arg10 : memref<!tpu.dma_semaphore, #tpu.memory_space<semaphore_mem>>) src(%dma_wait3A_74 : memref<1000000x16xf32, #tpu.memory_space<hbm>>) dst(%dma_wait3A_68 : memref<128x16xf32, #tpu.memory_space<vmem>>)
    %dma_wait3A_75 = arith.constant 2 : i32
    %dma_wait3A_76 = arith.constant 256 : i32
    %dma_wait3A_77 = arith.constant 0 : i32
    %dma_wait3A_78 = tpu.memref_slice %arg7[%dma_wait3A_76, %dma_wait3A_77] : memref<512x16xf32, #tpu.memory_space<vmem>> -> memref<128x16xf32, #tpu.memory_space<vmem>>
    %dma_wait3A_79 = arith.constant 0 : i32
    %dma_wait3A_80 = tpu.memref_slice %arg6[%dma_wait3A_75, %dma_wait3A_79] : memref<4x128xi32, #tpu.memory_space<vmem>> -> memref<1x128xi32, #tpu.memory_space<vmem>>
    %dma_wait3A_81 = tpu.memref_squeeze %dma_wait3A_80 : memref<1x128xi32, #tpu.memory_space<vmem>> -> memref<128xi32, #tpu.memory_space<vmem>>
    %dma_wait3A_82 = arith.constant 0 : i32
    %dma_wait3A_83 = arith.constant 0 : i32
    %dma_wait3A_84 = tpu.memref_slice %arg4[%dma_wait3A_82, %dma_wait3A_83] : memref<1000000x16xf32, #tpu.memory_space<hbm>> -> memref<1000000x16xf32, #tpu.memory_space<hbm>>
    tpu.wait_indirect_dma semaphore(%arg10 : memref<!tpu.dma_semaphore, #tpu.memory_space<semaphore_mem>>) src(%dma_wait3A_84 : memref<1000000x16xf32, #tpu.memory_space<hbm>>) dst(%dma_wait3A_78 : memref<128x16xf32, #tpu.memory_space<vmem>>)
    %dma_wait3A_85 = arith.constant 3 : i32
    %dma_wait3A_86 = arith.constant 384 : i32
    %dma_wait3A_87 = arith.constant 0 : i32
    %dma_wait3A_88 = tpu.memref_slice %arg7[%dma_wait3A_86, %dma_wait3A_87] : memref<512x16xf32, #tpu.memory_space<vmem>> -> memref<128x16xf32, #tpu.memory_space<vmem>>
    %dma_wait3A_89 = arith.constant 0 : i32
    %dma_wait3A_90 = tpu.memref_slice %arg6[%dma_wait3A_85, %dma_wait3A_89] : memref<4x128xi32, #tpu.memory_space<vmem>> -> memref<1x128xi32, #tpu.memory_space<vmem>>
    %dma_wait3A_91 = tpu.memref_squeeze %dma_wait3A_90 : memref<1x128xi32, #tpu.memory_space<vmem>> -> memref<128xi32, #tpu.memory_space<vmem>>
    %dma_wait3A_92 = arith.constant 0 : i32
    %dma_wait3A_93 = arith.constant 0 : i32
    %dma_wait3A_94 = tpu.memref_slice %arg4[%dma_wait3A_92, %dma_wait3A_93] : memref<1000000x16xf32, #tpu.memory_space<hbm>> -> memref<1000000x16xf32, #tpu.memory_space<hbm>>
    tpu.wait_indirect_dma semaphore(%arg10 : memref<!tpu.dma_semaphore, #tpu.memory_space<semaphore_mem>>) src(%dma_wait3A_94 : memref<1000000x16xf32, #tpu.memory_space<hbm>>) dst(%dma_wait3A_88 : memref<128x16xf32, #tpu.memory_space<vmem>>)
    %broadcast_in_dim3A = arith.constant 0.000000e+00 : f32
    %broadcast_in_dim3A_95 = vector.broadcast %broadcast_in_dim3A : f32 to vector<16xf32>
    %scan3A = arith.constant 0 : i32
    %scan3A_96 = arith.constant 64 : i32
    %scan3A_97 = arith.addi %scan3A, %scan3A_96 : i32
    %scan3A_98 = arith.constant 1 : i32
    %scan3A_99 = scf.for %scan3A_104 = %scan3A to %scan3A_97 step %scan3A_98 iter_args(%scan3A_105 = %broadcast_in_dim3A_95) -> (vector<16xf32>)  : i32 {
      %mul3A_106 = arith.constant 8 : i32
      %mul3A_107 = arith.muli %scan3A_104, %mul3A_106 : i32
      %add3A_108 = arith.constant 0 : i32
      %add3A_109 = arith.addi %mul3A_107, %add3A_108 : i32
      %get3A = arith.index_cast %add3A_109 : i32 to index
      %get3A_110 = arith.constant 0 : index
      %get3A_111 = tpu.vector_load %arg7[%get3A, %get3A_110] {strides = array<i32>} : memref<512x16xf32, #tpu.memory_space<vmem>>, vector<1x16xf32>,
      %get3A_112 = vector.shape_cast %get3A_111 : vector<1x16xf32> to vector<16xf32>
      %add3A_113 = arith.constant 0 : i32
      %add3A_114 = arith.addi %mul3A_107, %add3A_113 : i32
      %get3A_115 = arith.index_cast %add3A_114 : i32 to index
      %get3A_116 = arith.constant 0 : index
      %get3A_117 = tpu.vector_load %arg8[%get3A_115, %get3A_116] {strides = array<i32>} : memref<512x16xf32, #tpu.memory_space<vmem>>, vector<1x16xf32>,
      %get3A_118 = vector.shape_cast %get3A_117 : vector<1x16xf32> to vector<16xf32>
      %max3A = arith.constant 0.000000e+00 : f32
      %max3A_119 = vector.broadcast %max3A : f32 to vector<16xf32>
      %max3A_120 = arith.maximumf %get3A_112, %max3A_119 : vector<16xf32>
      %abs3A = math.absf %get3A_112 : vector<16xf32>
      %neg3A = arith.constant 0.000000e+00 : f32
      %neg3A_121 = vector.broadcast %neg3A : f32 to vector<16xf32>
      %neg3A_122 = arith.subf %neg3A_121, %abs3A : vector<16xf32>
      %exp3A = math.exp %neg3A_122 : vector<16xf32>
      %broadcast_in_dim3A_123 = arith.constant 0.0101190833 : f32
      %broadcast_in_dim3A_124 = vector.broadcast %broadcast_in_dim3A_123 : f32 to vector<16xf32>
      %mul3A_125 = arith.mulf %broadcast_in_dim3A_124, %exp3A : vector<16xf32>
      %add3A_126 = arith.constant -0.0526248515 : f32
      %add3A_127 = vector.broadcast %add3A_126 : f32 to vector<16xf32>
      %add3A_128 = arith.addf %mul3A_125, %add3A_127 : vector<16xf32>
      %mul3A_129 = arith.mulf %add3A_128, %exp3A : vector<16xf32>
      %add3A_130 = arith.constant 0.130765036 : f32
      %add3A_131 = vector.broadcast %add3A_130 : f32 to vector<16xf32>
      %add3A_132 = arith.addf %mul3A_129, %add3A_131 : vector<16xf32>
      %mul3A_133 = arith.mulf %add3A_132, %exp3A : vector<16xf32>
      %add3A_134 = arith.constant -0.222836256 : f32
      %add3A_135 = vector.broadcast %add3A_134 : f32 to vector<16xf32>
      %add3A_136 = arith.addf %mul3A_133, %add3A_135 : vector<16xf32>
      %mul3A_137 = arith.mulf %add3A_136, %exp3A : vector<16xf32>
      %add3A_138 = arith.constant 0.32697311 : f32
      %add3A_139 = vector.broadcast %add3A_138 : f32 to vector<16xf32>
      %add3A_140 = arith.addf %mul3A_137, %add3A_139 : vector<16xf32>
      %mul3A_141 = arith.mulf %add3A_140, %exp3A : vector<16xf32>
      %add3A_142 = arith.constant -0.499206573 : f32
      %add3A_143 = vector.broadcast %add3A_142 : f32 to vector<16xf32>
      %add3A_144 = arith.addf %mul3A_141, %add3A_143 : vector<16xf32>
      %mul3A_145 = arith.mulf %add3A_144, %exp3A : vector<16xf32>
      %add3A_146 = arith.constant 0.999957501 : f32
      %add3A_147 = vector.broadcast %add3A_146 : f32 to vector<16xf32>
      %add3A_148 = arith.addf %mul3A_145, %add3A_147 : vector<16xf32>
      %mul3A_149 = arith.mulf %add3A_148, %exp3A : vector<16xf32>
      %add3A_150 = arith.constant 5.62195908E-7 : f32
      %add3A_151 = vector.broadcast %add3A_150 : f32 to vector<16xf32>
      %add3A_152 = arith.addf %mul3A_149, %add3A_151 : vector<16xf32>
      %add3A_153 = arith.addf %max3A_120, %add3A_152 : vector<16xf32>
      %mul3A_154 = arith.mulf %add3A_153, %get3A_118 : vector<16xf32>
      %add3A_155 = arith.addf %scan3A_105, %mul3A_154 : vector<16xf32>
      %add3A_156 = arith.constant 1 : i32
      %add3A_157 = arith.addi %mul3A_107, %add3A_156 : i32
      %get3A_158 = arith.index_cast %add3A_157 : i32 to index
      %get3A_159 = arith.constant 0 : index
      %get3A_160 = tpu.vector_load %arg7[%get3A_158, %get3A_159] {strides = array<i32>} : memref<512x16xf32, #tpu.memory_space<vmem>>, vector<1x16xf32>,
      %get3A_161 = vector.shape_cast %get3A_160 : vector<1x16xf32> to vector<16xf32>
      %add3A_162 = arith.constant 1 : i32
      %add3A_163 = arith.addi %mul3A_107, %add3A_162 : i32
      %get3A_164 = arith.index_cast %add3A_163 : i32 to index
      %get3A_165 = arith.constant 0 : index
      %get3A_166 = tpu.vector_load %arg8[%get3A_164, %get3A_165] {strides = array<i32>} : memref<512x16xf32, #tpu.memory_space<vmem>>, vector<1x16xf32>,
      %get3A_167 = vector.shape_cast %get3A_166 : vector<1x16xf32> to vector<16xf32>
      %max3A_168 = arith.constant 0.000000e+00 : f32
      %max3A_169 = vector.broadcast %max3A_168 : f32 to vector<16xf32>
      %max3A_170 = arith.maximumf %get3A_161, %max3A_169 : vector<16xf32>
      %abs3A_171 = math.absf %get3A_161 : vector<16xf32>
      %neg3A_172 = arith.constant 0.000000e+00 : f32
      %neg3A_173 = vector.broadcast %neg3A_172 : f32 to vector<16xf32>
      %neg3A_174 = arith.subf %neg3A_173, %abs3A_171 : vector<16xf32>
      %exp3A_175 = math.exp %neg3A_174 : vector<16xf32>
      %broadcast_in_dim3A_176 = arith.constant 0.0101190833 : f32
      %broadcast_in_dim3A_177 = vector.broadcast %broadcast_in_dim3A_176 : f32 to vector<16xf32>
      %mul3A_178 = arith.mulf %broadcast_in_dim3A_177, %exp3A_175 : vector<16xf32>
      %add3A_179 = arith.constant -0.0526248515 : f32
      %add3A_180 = vector.broadcast %add3A_179 : f32 to vector<16xf32>
      %add3A_181 = arith.addf %mul3A_178, %add3A_180 : vector<16xf32>
      %mul3A_182 = arith.mulf %add3A_181, %exp3A_175 : vector<16xf32>
      %add3A_183 = arith.constant 0.130765036 : f32
      %add3A_184 = vector.broadcast %add3A_183 : f32 to vector<16xf32>
      %add3A_185 = arith.addf %mul3A_182, %add3A_184 : vector<16xf32>
      %mul3A_186 = arith.mulf %add3A_185, %exp3A_175 : vector<16xf32>
      %add3A_187 = arith.constant -0.222836256 : f32
      %add3A_188 = vector.broadcast %add3A_187 : f32 to vector<16xf32>
      %add3A_189 = arith.addf %mul3A_186, %add3A_188 : vector<16xf32>
      %mul3A_190 = arith.mulf %add3A_189, %exp3A_175 : vector<16xf32>
      %add3A_191 = arith.constant 0.32697311 : f32
      %add3A_192 = vector.broadcast %add3A_191 : f32 to vector<16xf32>
      %add3A_193 = arith.addf %mul3A_190, %add3A_192 : vector<16xf32>
      %mul3A_194 = arith.mulf %add3A_193, %exp3A_175 : vector<16xf32>
      %add3A_195 = arith.constant -0.499206573 : f32
      %add3A_196 = vector.broadcast %add3A_195 : f32 to vector<16xf32>
      %add3A_197 = arith.addf %mul3A_194, %add3A_196 : vector<16xf32>
      %mul3A_198 = arith.mulf %add3A_197, %exp3A_175 : vector<16xf32>
      %add3A_199 = arith.constant 0.999957501 : f32
      %add3A_200 = vector.broadcast %add3A_199 : f32 to vector<16xf32>
      %add3A_201 = arith.addf %mul3A_198, %add3A_200 : vector<16xf32>
      %mul3A_202 = arith.mulf %add3A_201, %exp3A_175 : vector<16xf32>
      %add3A_203 = arith.constant 5.62195908E-7 : f32
      %add3A_204 = vector.broadcast %add3A_203 : f32 to vector<16xf32>
      %add3A_205 = arith.addf %mul3A_202, %add3A_204 : vector<16xf32>
      %add3A_206 = arith.addf %max3A_170, %add3A_205 : vector<16xf32>
      %mul3A_207 = arith.mulf %add3A_206, %get3A_167 : vector<16xf32>
      %add3A_208 = arith.addf %add3A_155, %mul3A_207 : vector<16xf32>
      %add3A_209 = arith.constant 2 : i32
      %add3A_210 = arith.addi %mul3A_107, %add3A_209 : i32
      %get3A_211 = arith.index_cast %add3A_210 : i32 to index
      %get3A_212 = arith.constant 0 : index
      %get3A_213 = tpu.vector_load %arg7[%get3A_211, %get3A_212] {strides = array<i32>} : memref<512x16xf32, #tpu.memory_space<vmem>>, vector<1x16xf32>,
      %get3A_214 = vector.shape_cast %get3A_213 : vector<1x16xf32> to vector<16xf32>
      %add3A_215 = arith.constant 2 : i32
      %add3A_216 = arith.addi %mul3A_107, %add3A_215 : i32
      %get3A_217 = arith.index_cast %add3A_216 : i32 to index
      %get3A_218 = arith.constant 0 : index
      %get3A_219 = tpu.vector_load %arg8[%get3A_217, %get3A_218] {strides = array<i32>} : memref<512x16xf32, #tpu.memory_space<vmem>>, vector<1x16xf32>,
      %get3A_220 = vector.shape_cast %get3A_219 : vector<1x16xf32> to vector<16xf32>
      %max3A_221 = arith.constant 0.000000e+00 : f32
      %max3A_222 = vector.broadcast %max3A_221 : f32 to vector<16xf32>
      %max3A_223 = arith.maximumf %get3A_214, %max3A_222 : vector<16xf32>
      %abs3A_224 = math.absf %get3A_214 : vector<16xf32>
      %neg3A_225 = arith.constant 0.000000e+00 : f32
      %neg3A_226 = vector.broadcast %neg3A_225 : f32 to vector<16xf32>
      %neg3A_227 = arith.subf %neg3A_226, %abs3A_224 : vector<16xf32>
      %exp3A_228 = math.exp %neg3A_227 : vector<16xf32>
      %broadcast_in_dim3A_229 = arith.constant 0.0101190833 : f32
      %broadcast_in_dim3A_230 = vector.broadcast %broadcast_in_dim3A_229 : f32 to vector<16xf32>
      %mul3A_231 = arith.mulf %broadcast_in_dim3A_230, %exp3A_228 : vector<16xf32>
      %add3A_232 = arith.constant -0.0526248515 : f32
      %add3A_233 = vector.broadcast %add3A_232 : f32 to vector<16xf32>
      %add3A_234 = arith.addf %mul3A_231, %add3A_233 : vector<16xf32>
      %mul3A_235 = arith.mulf %add3A_234, %exp3A_228 : vector<16xf32>
      %add3A_236 = arith.constant 0.130765036 : f32
      %add3A_237 = vector.broadcast %add3A_236 : f32 to vector<16xf32>
      %add3A_238 = arith.addf %mul3A_235, %add3A_237 : vector<16xf32>
      %mul3A_239 = arith.mulf %add3A_238, %exp3A_228 : vector<16xf32>
      %add3A_240 = arith.constant -0.222836256 : f32
      %add3A_241 = vector.broadcast %add3A_240 : f32 to vector<16xf32>
      %add3A_242 = arith.addf %mul3A_239, %add3A_241 : vector<16xf32>
      %mul3A_243 = arith.mulf %add3A_242, %exp3A_228 : vector<16xf32>
      %add3A_244 = arith.constant 0.32697311 : f32
      %add3A_245 = vector.broadcast %add3A_244 : f32 to vector<16xf32>
      %add3A_246 = arith.addf %mul3A_243, %add3A_245 : vector<16xf32>
      %mul3A_247 = arith.mulf %add3A_246, %exp3A_228 : vector<16xf32>
      %add3A_248 = arith.constant -0.499206573 : f32
      %add3A_249 = vector.broadcast %add3A_248 : f32 to vector<16xf32>
      %add3A_250 = arith.addf %mul3A_247, %add3A_249 : vector<16xf32>
      %mul3A_251 = arith.mulf %add3A_250, %exp3A_228 : vector<16xf32>
      %add3A_252 = arith.constant 0.999957501 : f32
      %add3A_253 = vector.broadcast %add3A_252 : f32 to vector<16xf32>
      %add3A_254 = arith.addf %mul3A_251, %add3A_253 : vector<16xf32>
      %mul3A_255 = arith.mulf %add3A_254, %exp3A_228 : vector<16xf32>
      %add3A_256 = arith.constant 5.62195908E-7 : f32
      %add3A_257 = vector.broadcast %add3A_256 : f32 to vector<16xf32>
      %add3A_258 = arith.addf %mul3A_255, %add3A_257 : vector<16xf32>
      %add3A_259 = arith.addf %max3A_223, %add3A_258 : vector<16xf32>
      %mul3A_260 = arith.mulf %add3A_259, %get3A_220 : vector<16xf32>
      %add3A_261 = arith.addf %add3A_208, %mul3A_260 : vector<16xf32>
      %add3A_262 = arith.constant 3 : i32
      %add3A_263 = arith.addi %mul3A_107, %add3A_262 : i32
      %get3A_264 = arith.index_cast %add3A_263 : i32 to index
      %get3A_265 = arith.constant 0 : index
      %get3A_266 = tpu.vector_load %arg7[%get3A_264, %get3A_265] {strides = array<i32>} : memref<512x16xf32, #tpu.memory_space<vmem>>, vector<1x16xf32>,
      %get3A_267 = vector.shape_cast %get3A_266 : vector<1x16xf32> to vector<16xf32>
      %add3A_268 = arith.constant 3 : i32
      %add3A_269 = arith.addi %mul3A_107, %add3A_268 : i32
      %get3A_270 = arith.index_cast %add3A_269 : i32 to index
      %get3A_271 = arith.constant 0 : index
      %get3A_272 = tpu.vector_load %arg8[%get3A_270, %get3A_271] {strides = array<i32>} : memref<512x16xf32, #tpu.memory_space<vmem>>, vector<1x16xf32>,
      %get3A_273 = vector.shape_cast %get3A_272 : vector<1x16xf32> to vector<16xf32>
      %max3A_274 = arith.constant 0.000000e+00 : f32
      %max3A_275 = vector.broadcast %max3A_274 : f32 to vector<16xf32>
      %max3A_276 = arith.maximumf %get3A_267, %max3A_275 : vector<16xf32>
      %abs3A_277 = math.absf %get3A_267 : vector<16xf32>
      %neg3A_278 = arith.constant 0.000000e+00 : f32
      %neg3A_279 = vector.broadcast %neg3A_278 : f32 to vector<16xf32>
      %neg3A_280 = arith.subf %neg3A_279, %abs3A_277 : vector<16xf32>
      %exp3A_281 = math.exp %neg3A_280 : vector<16xf32>
      %broadcast_in_dim3A_282 = arith.constant 0.0101190833 : f32
      %broadcast_in_dim3A_283 = vector.broadcast %broadcast_in_dim3A_282 : f32 to vector<16xf32>
      %mul3A_284 = arith.mulf %broadcast_in_dim3A_283, %exp3A_281 : vector<16xf32>
      %add3A_285 = arith.constant -0.0526248515 : f32
      %add3A_286 = vector.broadcast %add3A_285 : f32 to vector<16xf32>
      %add3A_287 = arith.addf %mul3A_284, %add3A_286 : vector<16xf32>
      %mul3A_288 = arith.mulf %add3A_287, %exp3A_281 : vector<16xf32>
      %add3A_289 = arith.constant 0.130765036 : f32
      %add3A_290 = vector.broadcast %add3A_289 : f32 to vector<16xf32>
      %add3A_291 = arith.addf %mul3A_288, %add3A_290 : vector<16xf32>
      %mul3A_292 = arith.mulf %add3A_291, %exp3A_281 : vector<16xf32>
      %add3A_293 = arith.constant -0.222836256 : f32
      %add3A_294 = vector.broadcast %add3A_293 : f32 to vector<16xf32>
      %add3A_295 = arith.addf %mul3A_292, %add3A_294 : vector<16xf32>
      %mul3A_296 = arith.mulf %add3A_295, %exp3A_281 : vector<16xf32>
      %add3A_297 = arith.constant 0.32697311 : f32
      %add3A_298 = vector.broadcast %add3A_297 : f32 to vector<16xf32>
      %add3A_299 = arith.addf %mul3A_296, %add3A_298 : vector<16xf32>
      %mul3A_300 = arith.mulf %add3A_299, %exp3A_281 : vector<16xf32>
      %add3A_301 = arith.constant -0.499206573 : f32
      %add3A_302 = vector.broadcast %add3A_301 : f32 to vector<16xf32>
      %add3A_303 = arith.addf %mul3A_300, %add3A_302 : vector<16xf32>
      %mul3A_304 = arith.mulf %add3A_303, %exp3A_281 : vector<16xf32>
      %add3A_305 = arith.constant 0.999957501 : f32
      %add3A_306 = vector.broadcast %add3A_305 : f32 to vector<16xf32>
      %add3A_307 = arith.addf %mul3A_304, %add3A_306 : vector<16xf32>
      %mul3A_308 = arith.mulf %add3A_307, %exp3A_281 : vector<16xf32>
      %add3A_309 = arith.constant 5.62195908E-7 : f32
      %add3A_310 = vector.broadcast %add3A_309 : f32 to vector<16xf32>
      %add3A_311 = arith.addf %mul3A_308, %add3A_310 : vector<16xf32>
      %add3A_312 = arith.addf %max3A_276, %add3A_311 : vector<16xf32>
      %mul3A_313 = arith.mulf %add3A_312, %get3A_273 : vector<16xf32>
      %add3A_314 = arith.addf %add3A_261, %mul3A_313 : vector<16xf32>
      %add3A_315 = arith.constant 4 : i32
      %add3A_316 = arith.addi %mul3A_107, %add3A_315 : i32
      %get3A_317 = arith.index_cast %add3A_316 : i32 to index
      %get3A_318 = arith.constant 0 : index
      %get3A_319 = tpu.vector_load %arg7[%get3A_317, %get3A_318] {strides = array<i32>} : memref<512x16xf32, #tpu.memory_space<vmem>>, vector<1x16xf32>,
      %get3A_320 = vector.shape_cast %get3A_319 : vector<1x16xf32> to vector<16xf32>
      %add3A_321 = arith.constant 4 : i32
      %add3A_322 = arith.addi %mul3A_107, %add3A_321 : i32
      %get3A_323 = arith.index_cast %add3A_322 : i32 to index
      %get3A_324 = arith.constant 0 : index
      %get3A_325 = tpu.vector_load %arg8[%get3A_323, %get3A_324] {strides = array<i32>} : memref<512x16xf32, #tpu.memory_space<vmem>>, vector<1x16xf32>,
      %get3A_326 = vector.shape_cast %get3A_325 : vector<1x16xf32> to vector<16xf32>
      %max3A_327 = arith.constant 0.000000e+00 : f32
      %max3A_328 = vector.broadcast %max3A_327 : f32 to vector<16xf32>
      %max3A_329 = arith.maximumf %get3A_320, %max3A_328 : vector<16xf32>
      %abs3A_330 = math.absf %get3A_320 : vector<16xf32>
      %neg3A_331 = arith.constant 0.000000e+00 : f32
      %neg3A_332 = vector.broadcast %neg3A_331 : f32 to vector<16xf32>
      %neg3A_333 = arith.subf %neg3A_332, %abs3A_330 : vector<16xf32>
      %exp3A_334 = math.exp %neg3A_333 : vector<16xf32>
      %broadcast_in_dim3A_335 = arith.constant 0.0101190833 : f32
      %broadcast_in_dim3A_336 = vector.broadcast %broadcast_in_dim3A_335 : f32 to vector<16xf32>
      %mul3A_337 = arith.mulf %broadcast_in_dim3A_336, %exp3A_334 : vector<16xf32>
      %add3A_338 = arith.constant -0.0526248515 : f32
      %add3A_339 = vector.broadcast %add3A_338 : f32 to vector<16xf32>
      %add3A_340 = arith.addf %mul3A_337, %add3A_339 : vector<16xf32>
      %mul3A_341 = arith.mulf %add3A_340, %exp3A_334 : vector<16xf32>
      %add3A_342 = arith.constant 0.130765036 : f32
      %add3A_343 = vector.broadcast %add3A_342 : f32 to vector<16xf32>
      %add3A_344 = arith.addf %mul3A_341, %add3A_343 : vector<16xf32>
      %mul3A_345 = arith.mulf %add3A_344, %exp3A_334 : vector<16xf32>
      %add3A_346 = arith.constant -0.222836256 : f32
      %add3A_347 = vector.broadcast %add3A_346 : f32 to vector<16xf32>
      %add3A_348 = arith.addf %mul3A_345, %add3A_347 : vector<16xf32>
      %mul3A_349 = arith.mulf %add3A_348, %exp3A_334 : vector<16xf32>
      %add3A_350 = arith.constant 0.32697311 : f32
      %add3A_351 = vector.broadcast %add3A_350 : f32 to vector<16xf32>
      %add3A_352 = arith.addf %mul3A_349, %add3A_351 : vector<16xf32>
      %mul3A_353 = arith.mulf %add3A_352, %exp3A_334 : vector<16xf32>
      %add3A_354 = arith.constant -0.499206573 : f32
      %add3A_355 = vector.broadcast %add3A_354 : f32 to vector<16xf32>
      %add3A_356 = arith.addf %mul3A_353, %add3A_355 : vector<16xf32>
      %mul3A_357 = arith.mulf %add3A_356, %exp3A_334 : vector<16xf32>
      %add3A_358 = arith.constant 0.999957501 : f32
      %add3A_359 = vector.broadcast %add3A_358 : f32 to vector<16xf32>
      %add3A_360 = arith.addf %mul3A_357, %add3A_359 : vector<16xf32>
      %mul3A_361 = arith.mulf %add3A_360, %exp3A_334 : vector<16xf32>
      %add3A_362 = arith.constant 5.62195908E-7 : f32
      %add3A_363 = vector.broadcast %add3A_362 : f32 to vector<16xf32>
      %add3A_364 = arith.addf %mul3A_361, %add3A_363 : vector<16xf32>
      %add3A_365 = arith.addf %max3A_329, %add3A_364 : vector<16xf32>
      %mul3A_366 = arith.mulf %add3A_365, %get3A_326 : vector<16xf32>
      %add3A_367 = arith.addf %add3A_314, %mul3A_366 : vector<16xf32>
      %add3A_368 = arith.constant 5 : i32
      %add3A_369 = arith.addi %mul3A_107, %add3A_368 : i32
      %get3A_370 = arith.index_cast %add3A_369 : i32 to index
      %get3A_371 = arith.constant 0 : index
      %get3A_372 = tpu.vector_load %arg7[%get3A_370, %get3A_371] {strides = array<i32>} : memref<512x16xf32, #tpu.memory_space<vmem>>, vector<1x16xf32>,
      %get3A_373 = vector.shape_cast %get3A_372 : vector<1x16xf32> to vector<16xf32>
      %add3A_374 = arith.constant 5 : i32
      %add3A_375 = arith.addi %mul3A_107, %add3A_374 : i32
      %get3A_376 = arith.index_cast %add3A_375 : i32 to index
      %get3A_377 = arith.constant 0 : index
      %get3A_378 = tpu.vector_load %arg8[%get3A_376, %get3A_377] {strides = array<i32>} : memref<512x16xf32, #tpu.memory_space<vmem>>, vector<1x16xf32>,
      %get3A_379 = vector.shape_cast %get3A_378 : vector<1x16xf32> to vector<16xf32>
      %max3A_380 = arith.constant 0.000000e+00 : f32
      %max3A_381 = vector.broadcast %max3A_380 : f32 to vector<16xf32>
      %max3A_382 = arith.maximumf %get3A_373, %max3A_381 : vector<16xf32>
      %abs3A_383 = math.absf %get3A_373 : vector<16xf32>
      %neg3A_384 = arith.constant 0.000000e+00 : f32
      %neg3A_385 = vector.broadcast %neg3A_384 : f32 to vector<16xf32>
      %neg3A_386 = arith.subf %neg3A_385, %abs3A_383 : vector<16xf32>
      %exp3A_387 = math.exp %neg3A_386 : vector<16xf32>
      %broadcast_in_dim3A_388 = arith.constant 0.0101190833 : f32
      %broadcast_in_dim3A_389 = vector.broadcast %broadcast_in_dim3A_388 : f32 to vector<16xf32>
      %mul3A_390 = arith.mulf %broadcast_in_dim3A_389, %exp3A_387 : vector<16xf32>
      %add3A_391 = arith.constant -0.0526248515 : f32
      %add3A_392 = vector.broadcast %add3A_391 : f32 to vector<16xf32>
      %add3A_393 = arith.addf %mul3A_390, %add3A_392 : vector<16xf32>
      %mul3A_394 = arith.mulf %add3A_393, %exp3A_387 : vector<16xf32>
      %add3A_395 = arith.constant 0.130765036 : f32
      %add3A_396 = vector.broadcast %add3A_395 : f32 to vector<16xf32>
      %add3A_397 = arith.addf %mul3A_394, %add3A_396 : vector<16xf32>
      %mul3A_398 = arith.mulf %add3A_397, %exp3A_387 : vector<16xf32>
      %add3A_399 = arith.constant -0.222836256 : f32
      %add3A_400 = vector.broadcast %add3A_399 : f32 to vector<16xf32>
      %add3A_401 = arith.addf %mul3A_398, %add3A_400 : vector<16xf32>
      %mul3A_402 = arith.mulf %add3A_401, %exp3A_387 : vector<16xf32>
      %add3A_403 = arith.constant 0.32697311 : f32
      %add3A_404 = vector.broadcast %add3A_403 : f32 to vector<16xf32>
      %add3A_405 = arith.addf %mul3A_402, %add3A_404 : vector<16xf32>
      %mul3A_406 = arith.mulf %add3A_405, %exp3A_387 : vector<16xf32>
      %add3A_407 = arith.constant -0.499206573 : f32
      %add3A_408 = vector.broadcast %add3A_407 : f32 to vector<16xf32>
      %add3A_409 = arith.addf %mul3A_406, %add3A_408 : vector<16xf32>
      %mul3A_410 = arith.mulf %add3A_409, %exp3A_387 : vector<16xf32>
      %add3A_411 = arith.constant 0.999957501 : f32
      %add3A_412 = vector.broadcast %add3A_411 : f32 to vector<16xf32>
      %add3A_413 = arith.addf %mul3A_410, %add3A_412 : vector<16xf32>
      %mul3A_414 = arith.mulf %add3A_413, %exp3A_387 : vector<16xf32>
      %add3A_415 = arith.constant 5.62195908E-7 : f32
      %add3A_416 = vector.broadcast %add3A_415 : f32 to vector<16xf32>
      %add3A_417 = arith.addf %mul3A_414, %add3A_416 : vector<16xf32>
      %add3A_418 = arith.addf %max3A_382, %add3A_417 : vector<16xf32>
      %mul3A_419 = arith.mulf %add3A_418, %get3A_379 : vector<16xf32>
      %add3A_420 = arith.addf %add3A_367, %mul3A_419 : vector<16xf32>
      %add3A_421 = arith.constant 6 : i32
      %add3A_422 = arith.addi %mul3A_107, %add3A_421 : i32
      %get3A_423 = arith.index_cast %add3A_422 : i32 to index
      %get3A_424 = arith.constant 0 : index
      %get3A_425 = tpu.vector_load %arg7[%get3A_423, %get3A_424] {strides = array<i32>} : memref<512x16xf32, #tpu.memory_space<vmem>>, vector<1x16xf32>,
      %get3A_426 = vector.shape_cast %get3A_425 : vector<1x16xf32> to vector<16xf32>
      %add3A_427 = arith.constant 6 : i32
      %add3A_428 = arith.addi %mul3A_107, %add3A_427 : i32
      %get3A_429 = arith.index_cast %add3A_428 : i32 to index
      %get3A_430 = arith.constant 0 : index
      %get3A_431 = tpu.vector_load %arg8[%get3A_429, %get3A_430] {strides = array<i32>} : memref<512x16xf32, #tpu.memory_space<vmem>>, vector<1x16xf32>,
      %get3A_432 = vector.shape_cast %get3A_431 : vector<1x16xf32> to vector<16xf32>
      %max3A_433 = arith.constant 0.000000e+00 : f32
      %max3A_434 = vector.broadcast %max3A_433 : f32 to vector<16xf32>
      %max3A_435 = arith.maximumf %get3A_426, %max3A_434 : vector<16xf32>
      %abs3A_436 = math.absf %get3A_426 : vector<16xf32>
      %neg3A_437 = arith.constant 0.000000e+00 : f32
      %neg3A_438 = vector.broadcast %neg3A_437 : f32 to vector<16xf32>
      %neg3A_439 = arith.subf %neg3A_438, %abs3A_436 : vector<16xf32>
      %exp3A_440 = math.exp %neg3A_439 : vector<16xf32>
      %broadcast_in_dim3A_441 = arith.constant 0.0101190833 : f32
      %broadcast_in_dim3A_442 = vector.broadcast %broadcast_in_dim3A_441 : f32 to vector<16xf32>
      %mul3A_443 = arith.mulf %broadcast_in_dim3A_442, %exp3A_440 : vector<16xf32>
      %add3A_444 = arith.constant -0.0526248515 : f32
      %add3A_445 = vector.broadcast %add3A_444 : f32 to vector<16xf32>
      %add3A_446 = arith.addf %mul3A_443, %add3A_445 : vector<16xf32>
      %mul3A_447 = arith.mulf %add3A_446, %exp3A_440 : vector<16xf32>
      %add3A_448 = arith.constant 0.130765036 : f32
      %add3A_449 = vector.broadcast %add3A_448 : f32 to vector<16xf32>
      %add3A_450 = arith.addf %mul3A_447, %add3A_449 : vector<16xf32>
      %mul3A_451 = arith.mulf %add3A_450, %exp3A_440 : vector<16xf32>
      %add3A_452 = arith.constant -0.222836256 : f32
      %add3A_453 = vector.broadcast %add3A_452 : f32 to vector<16xf32>
      %add3A_454 = arith.addf %mul3A_451, %add3A_453 : vector<16xf32>
      %mul3A_455 = arith.mulf %add3A_454, %exp3A_440 : vector<16xf32>
      %add3A_456 = arith.constant 0.32697311 : f32
      %add3A_457 = vector.broadcast %add3A_456 : f32 to vector<16xf32>
      %add3A_458 = arith.addf %mul3A_455, %add3A_457 : vector<16xf32>
      %mul3A_459 = arith.mulf %add3A_458, %exp3A_440 : vector<16xf32>
      %add3A_460 = arith.constant -0.499206573 : f32
      %add3A_461 = vector.broadcast %add3A_460 : f32 to vector<16xf32>
      %add3A_462 = arith.addf %mul3A_459, %add3A_461 : vector<16xf32>
      %mul3A_463 = arith.mulf %add3A_462, %exp3A_440 : vector<16xf32>
      %add3A_464 = arith.constant 0.999957501 : f32
      %add3A_465 = vector.broadcast %add3A_464 : f32 to vector<16xf32>
      %add3A_466 = arith.addf %mul3A_463, %add3A_465 : vector<16xf32>
      %mul3A_467 = arith.mulf %add3A_466, %exp3A_440 : vector<16xf32>
      %add3A_468 = arith.constant 5.62195908E-7 : f32
      %add3A_469 = vector.broadcast %add3A_468 : f32 to vector<16xf32>
      %add3A_470 = arith.addf %mul3A_467, %add3A_469 : vector<16xf32>
      %add3A_471 = arith.addf %max3A_435, %add3A_470 : vector<16xf32>
      %mul3A_472 = arith.mulf %add3A_471, %get3A_432 : vector<16xf32>
      %add3A_473 = arith.addf %add3A_420, %mul3A_472 : vector<16xf32>
      %add3A_474 = arith.constant 7 : i32
      %add3A_475 = arith.addi %mul3A_107, %add3A_474 : i32
      %get3A_476 = arith.index_cast %add3A_475 : i32 to index
      %get3A_477 = arith.constant 0 : index
      %get3A_478 = tpu.vector_load %arg7[%get3A_476, %get3A_477] {strides = array<i32>} : memref<512x16xf32, #tpu.memory_space<vmem>>, vector<1x16xf32>,
      %get3A_479 = vector.shape_cast %get3A_478 : vector<1x16xf32> to vector<16xf32>
      %add3A_480 = arith.constant 7 : i32
      %add3A_481 = arith.addi %mul3A_107, %add3A_480 : i32
      %get3A_482 = arith.index_cast %add3A_481 : i32 to index
      %get3A_483 = arith.constant 0 : index
      %get3A_484 = tpu.vector_load %arg8[%get3A_482, %get3A_483] {strides = array<i32>} : memref<512x16xf32, #tpu.memory_space<vmem>>, vector<1x16xf32>,
      %get3A_485 = vector.shape_cast %get3A_484 : vector<1x16xf32> to vector<16xf32>
      %max3A_486 = arith.constant 0.000000e+00 : f32
      %max3A_487 = vector.broadcast %max3A_486 : f32 to vector<16xf32>
      %max3A_488 = arith.maximumf %get3A_479, %max3A_487 : vector<16xf32>
      %abs3A_489 = math.absf %get3A_479 : vector<16xf32>
      %neg3A_490 = arith.constant 0.000000e+00 : f32
      %neg3A_491 = vector.broadcast %neg3A_490 : f32 to vector<16xf32>
      %neg3A_492 = arith.subf %neg3A_491, %abs3A_489 : vector<16xf32>
      %exp3A_493 = math.exp %neg3A_492 : vector<16xf32>
      %broadcast_in_dim3A_494 = arith.constant 0.0101190833 : f32
      %broadcast_in_dim3A_495 = vector.broadcast %broadcast_in_dim3A_494 : f32 to vector<16xf32>
      %mul3A_496 = arith.mulf %broadcast_in_dim3A_495, %exp3A_493 : vector<16xf32>
      %add3A_497 = arith.constant -0.0526248515 : f32
      %add3A_498 = vector.broadcast %add3A_497 : f32 to vector<16xf32>
      %add3A_499 = arith.addf %mul3A_496, %add3A_498 : vector<16xf32>
      %mul3A_500 = arith.mulf %add3A_499, %exp3A_493 : vector<16xf32>
      %add3A_501 = arith.constant 0.130765036 : f32
      %add3A_502 = vector.broadcast %add3A_501 : f32 to vector<16xf32>
      %add3A_503 = arith.addf %mul3A_500, %add3A_502 : vector<16xf32>
      %mul3A_504 = arith.mulf %add3A_503, %exp3A_493 : vector<16xf32>
      %add3A_505 = arith.constant -0.222836256 : f32
      %add3A_506 = vector.broadcast %add3A_505 : f32 to vector<16xf32>
      %add3A_507 = arith.addf %mul3A_504, %add3A_506 : vector<16xf32>
      %mul3A_508 = arith.mulf %add3A_507, %exp3A_493 : vector<16xf32>
      %add3A_509 = arith.constant 0.32697311 : f32
      %add3A_510 = vector.broadcast %add3A_509 : f32 to vector<16xf32>
      %add3A_511 = arith.addf %mul3A_508, %add3A_510 : vector<16xf32>
      %mul3A_512 = arith.mulf %add3A_511, %exp3A_493 : vector<16xf32>
      %add3A_513 = arith.constant -0.499206573 : f32
      %add3A_514 = vector.broadcast %add3A_513 : f32 to vector<16xf32>
      %add3A_515 = arith.addf %mul3A_512, %add3A_514 : vector<16xf32>
      %mul3A_516 = arith.mulf %add3A_515, %exp3A_493 : vector<16xf32>
      %add3A_517 = arith.constant 0.999957501 : f32
      %add3A_518 = vector.broadcast %add3A_517 : f32 to vector<16xf32>
      %add3A_519 = arith.addf %mul3A_516, %add3A_518 : vector<16xf32>
      %mul3A_520 = arith.mulf %add3A_519, %exp3A_493 : vector<16xf32>
      %add3A_521 = arith.constant 5.62195908E-7 : f32
      %add3A_522 = vector.broadcast %add3A_521 : f32 to vector<16xf32>
      %add3A_523 = arith.addf %mul3A_520, %add3A_522 : vector<16xf32>
      %add3A_524 = arith.addf %max3A_488, %add3A_523 : vector<16xf32>
      %mul3A_525 = arith.mulf %add3A_524, %get3A_485 : vector<16xf32>
      %add3A_526 = arith.addf %add3A_473, %mul3A_525 : vector<16xf32>
      scf.yield %add3A_526 : vector<16xf32>
    }
    %scan3A_100 = arith.constant 64 : i32
    %swap3A = arith.constant 0 : index
    %swap3A_101 = tpu.vector_load %arg9[%swap3A] {strides = array<i32>} : memref<16xf32, #tpu.memory_space<vmem>>, vector<16xf32>,
    %swap3A_102 = vector.shape_cast %swap3A_101 : vector<16xf32> to vector<16xf32>
    %swap3A_103 = vector.shape_cast %scan3A_99 : vector<16xf32> to vector<16xf32>
    tpu.vector_store %arg9[%swap3A], %swap3A_103 {strides = array<i32>} : memref<16xf32, #tpu.memory_space<vmem>>, vector<16xf32>,
    "tpu.region"() ({
      %run_scoped3A = tpu.sem_alloc : memref<!tpu.dma_semaphore, #tpu.memory_space<semaphore_mem>>
      %dma_start3A_104 = arith.constant 0 : i32
      %dma_start3A_105 = tpu.memref_slice %arg5[%add3A, %dma_start3A_104] : memref<32x16xf32, #tpu.memory_space<hbm>> -> memref<1x16xf32, #tpu.memory_space<hbm>>
      %dma_start3A_106 = tpu.memref_squeeze %dma_start3A_105 : memref<1x16xf32, #tpu.memory_space<hbm>> -> memref<16xf32, #tpu.memory_space<hbm>>
      %dma_start3A_107 = arith.constant 0 : i32
      %dma_start3A_108 = tpu.memref_slice %arg5[%add3A, %dma_start3A_107] : memref<32x16xf32, #tpu.memory_space<hbm>> -> memref<1x16xf32, #tpu.memory_space<hbm>>
      %dma_start3A_109 = tpu.memref_squeeze %dma_start3A_108 : memref<1x16xf32, #tpu.memory_space<hbm>> -> memref<16xf32, #tpu.memory_space<hbm>>
      tpu.enqueue_dma source(%arg9 : memref<16xf32, #tpu.memory_space<vmem>>) target(%dma_start3A_109 : memref<16xf32, #tpu.memory_space<hbm>>) target_semaphore(%run_scoped3A : memref<!tpu.dma_semaphore, #tpu.memory_space<semaphore_mem>>)
      %dma_wait3A_110 = arith.constant 0 : i32
      %dma_wait3A_111 = tpu.memref_slice %arg5[%add3A, %dma_wait3A_110] : memref<32x16xf32, #tpu.memory_space<hbm>> -> memref<1x16xf32, #tpu.memory_space<hbm>>
      %dma_wait3A_112 = tpu.memref_squeeze %dma_wait3A_111 : memref<1x16xf32, #tpu.memory_space<hbm>> -> memref<16xf32, #tpu.memory_space<hbm>>
      %dma_wait3A_113 = arith.constant 0 : i32
      %dma_wait3A_114 = tpu.memref_slice %arg5[%add3A, %dma_wait3A_113] : memref<32x16xf32, #tpu.memory_space<hbm>> -> memref<1x16xf32, #tpu.memory_space<hbm>>
      %dma_wait3A_115 = tpu.memref_squeeze %dma_wait3A_114 : memref<1x16xf32, #tpu.memory_space<hbm>> -> memref<16xf32, #tpu.memory_space<hbm>>
      tpu.wait_dma2 semaphore(%run_scoped3A : memref<!tpu.dma_semaphore, #tpu.memory_space<semaphore_mem>>) src(%arg9 : memref<16xf32, #tpu.memory_space<vmem>>) dst(%dma_wait3A_115 : memref<16xf32, #tpu.memory_space<hbm>>)
      tpu.yield
    }) : () -> ()
    return
  }
}

</mosaic_0001>

<sc_bundles>
// kernel: _run.3.cloned.1.call-start
scs
__scs_entry_jumppad:
0x0: {  	(pc) =	sbr.rel $0x88, $3  }
0x1: {  	(tag) =	ssettag $0x0;
	lr =	simm.s32 $0x1  }
0x2: {  	[smem:$0x3F9E] =	sst lr;
	_ =	strace $0xD0000000  }
0x3: {  	_ = 	snop  }
0x4: {  	_ = 	snop  }
0x5: {  	_ = 	snop  }
0x6: {  	_ = 	snop  }
0x7: {  	_ = 	snop  }
__scs_overlays_trampoline_lowered:
0x8: {  	[smem:$0x3FAD] =	sst s0  }
0x9: {  	[smem:$0x3FAE] =	sst s1  }
0xa: {  	[smem:$0x3FAF] =	sst s2  }
0xb: {  	[smem:$0x3FB0] =	sst s3  }
0xc: {  	[smem:$0x3FB1] =	sst s4  }
0xd: {  	[smem:$0x3FB2] =	sst s5  }
0xe: {  	[smem:$0x3FB3] =	sst s6  }
0xf: {  	[smem:$0x3FB4] =	sst s7  }
0x10: {  	[smem:$0x3FB5] =	sst s8  }
0x11: {  	[smem:$0x3FB6] =	sst s9;
	s0 =	simm.s32 @!p0 $0x0  }
0x12: {  	s1 =	sld [smem:$0x3F9C];
	s0 =	simm.s32 @p0 $0x1  }
0x13: {  	[smem:$0x3FB7] =	sst s0;
	s0 =	simm.s32 @!p1 $0x0  }
0x14: {  	s2 =	sld [smem:$0x3F9B];
	s0 =	simm.s32 @p1 $0x1  }
0x15: {  	[smem:$0x3FB8] =	sst s0;
	s0 =	simm.s32 @!p2 $0x0  }
0x16: {  	s3 =	sld [smem:$0x3FDB];
	s0 =	simm.s32 @p2 $0x1  }
0x17: {  	s4 =	simm.s32 $0x1BF5;
	[smem:$0x3FBA] =	sst s0  }
0x18: {  	s0 =	sld [smem:$0x3F9D];
	_ =	swait.ge [sflag:s4], $0x0  }
0x19: {  	s7 =	sld [smem:$0x3F9E]  }
0x1a: {  	s8 =	sadd.s32 $0xFFFFE003, lr  }
0x1b: {  	s9 =	sadd.s32 $0xFFFFFEF7, lr;
	s5 =	simm.s32 $0xFFFFFFFF;
	p2 =	slt.u32 s8, $0xFFFFF086  }
0x1c: {  	p1 =	slt.u32 s9, $0xF7A;
	s5 =	simm.s32 @!p2 $0x0  }
0x1d: {  	s5 =	simm.s32 @p1 $0x1;
	p0 =	seq.s32 s7, s2  }
0x1e: {  	s7 =	smul.u32 @!p0 $0xF7A, s2;
	p2 =	seq.s32 @!p0 s5, $0x0  }
0x1f: {  	s9 =	smul.u32 $0xF7A, s1;
	s8 =	simm.s32 @!p0 $0x1BF5;
	p2 =	por !p2, p0  }
0x20: {  	[sflag:s8] =	ssyncset.s32 @!p0 $0xFFFFF086;
	s6 =	sadd.s32 @!p0 s3, s7;
	s7 =	simm.s32 @!p0 $0x108  }
0x21: {  	s3 =	sadd.s32 s3, s9;
	s6 =	sadd.s32 @!p0 $0x88, s6;
	s7 =	simm.s32 @p2 $0x1082  }
0x22: {  	[simem:s7], [sflag:s8] =	dma.local @!p0 [hbm:s6], $0xF7A  }
0x23: {  	s9 =	sor.u32 $0xD0000000, s2;
	s6 =	simm.s32 $0x108;
	_ =	swait.ge @!p0 [sflag:s8], $0x0  }
0x24: {  	s3 =	sadd.s32 $0x88, s3;
	s6 =	simm.s32 @!p1 $0x1082;
	[sflag:s4] =	ssyncset.s32 $0xFFFFF086  }
0x25: {  	[simem:s6], [sflag:s4] =	dma.local [hbm:s3], $0xF7A  }
0x26: {  	[smem:$0x3F9E] =	sst s1;
	(tag) =	ssettag s2;
	_ =	strace s9  }
0x27: {  	s1 =	sld [smem:$0x3FAE]  }
0x28: {  	s2 =	sld [smem:$0x3FAF]  }
0x29: {  	s4 =	sld [smem:$0x3FB1]  }
0x2a: {  	p0 =	seq.s32 s5, $0x0;
	s5 =	sld [smem:$0x3FB2]  }
0x2b: {  	s6 =	sld [smem:$0x3FB3]  }
0x2c: {  	s7 =	sld [smem:$0x3FB4]  }
0x2d: {  	s3 =	simm.s32 $0x108;
	s8 =	sld [smem:$0x3FB5]  }
0x2e: {  	s3 =	simm.s32 @!p0 $0x1082;
	s9 =	sld [smem:$0x3FB6]  }
0x2f: {  	lr =	sadd.s32 s0, s3;
	s0 =	sld [smem:$0x3FAD]  }
0x30: {  	s3 =	sld [smem:$0x3FB0]  }
0x31: {  	[smem:$0x3FB9] =	sst s10  }
0x32: {  	s10 =	sld [smem:$0x3FB7];
	_ =	sdelay $0x3  }
0x33: {  	p0 =	seq.s32 s10, $0x1;
	s10 =	sld [smem:$0x3FB9];
	_ =	sdelay $0x3  }
0x34: {  	[smem:$0x3FB9] =	sst s10  }
0x35: {  	s10 =	sld [smem:$0x3FB8];
	_ =	sdelay $0x3  }
0x36: {  	p1 =	seq.s32 s10, $0x1;
	s10 =	sld [smem:$0x3FB9];
	_ =	sdelay $0x3  }
0x37: {  	[smem:$0x3FB9] =	sst s10  }
0x38: {  	s10 =	sld [smem:$0x3FBA]  }
0x39: {  	_ = 	snop;
	(pc) =	sbr.ind lr, $3  }
0x3a: {  	_ = 	snop  }
0x3b: {  	_ = 	snop  }
0x3c: {  	p2 =	seq.s32 s10, $0x1;
	s10 =	sld [smem:$0x3FB9]  }
0x3d: {  	_ =	shalt  }
0x3e: {  	_ =	shalt  }
0x3f: {  	_ =	shalt  }
0x40: {  	_ =	shalt  }
0x41: {  	_ =	shalt  }
0x42: {  	_ =	shalt  }
0x43: {  	_ =	shalt  }
0x44: {  	_ =	shalt  }
0x45: {  	_ =	shalt  }
0x46: {  	_ =	shalt  }
0x47: {  	_ =	shalt  }
0x48: {  	_ =	shalt  }
0x49: {  	_ =	shalt  }
0x4a: {  	_ =	shalt  }
0x4b: {  	_ =	shalt  }
0x4c: {  	_ =	shalt  }
0x4d: {  	_ =	shalt  }
0x4e: {  	_ =	shalt  }
0x4f: {  	_ =	shalt  }
0x50: {  	_ =	shalt  }
0x51: {  	_ =	shalt  }
0x52: {  	_ =	shalt  }
0x53: {  	_ =	shalt  }
0x54: {  	_ =	shalt  }
0x55: {  	_ =	shalt  }
0x56: {  	_ =	shalt  }
0x57: {  	_ =	shalt  }
0x58: {  	_ =	shalt  }
0x59: {  	_ =	shalt  }
0x5a: {  	_ =	shalt  }
0x5b: {  	_ =	shalt  }
0x5c: {  	_ =	shalt  }
0x5d: {  	_ =	shalt  }
0x5e: {  	_ =	shalt  }
0x5f: {  	_ =	shalt  }
0x60: {  	_ =	shalt  }
0x61: {  	_ =	shalt  }
0x62: {  	_ =	shalt  }
0x63: {  	_ =	shalt  }
0x64: {  	_ =	shalt  }
0x65: {  	_ =	shalt  }
0x66: {  	_ =	shalt  }
0x67: {  	_ =	shalt  }
0x68: {  	_ =	shalt  }
0x69: {  	_ =	shalt  }
0x6a: {  	_ =	shalt  }
0x6b: {  	_ =	shalt  }
0x6c: {  	_ =	shalt  }
0x6d: {  	_ =	shalt  }
0x6e: {  	_ =	shalt  }
0x6f: {  	_ =	shalt  }
0x70: {  	_ =	shalt  }
0x71: {  	_ =	shalt  }
0x72: {  	_ =	shalt  }
0x73: {  	_ =	shalt  }
0x74: {  	_ =	shalt  }
0x75: {  	_ =	shalt  }
0x76: {  	_ =	shalt  }
0x77: {  	_ =	shalt  }
0x78: {  	_ =	shalt  }
0x79: {  	_ =	shalt  }
0x7a: {  	_ =	shalt  }
0x7b: {  	_ =	shalt  }
0x7c: {  	_ =	shalt  }
0x7d: {  	_ =	shalt  }
0x7e: {  	_ =	shalt  }
0x7f: {  	_ =	shalt  }
0x80: {  	_ =	shalt  }
0x81: {  	_ =	shalt  }
0x82: {  	_ =	shalt  }
0x83: {  	_ =	shalt  }
0x84: {  	_ =	shalt  }
0x85: {  	_ =	shalt  }
0x86: {  	_ =	shalt  }
0x87: {  	_ =	shalt  }
.Lfunc_end0:
.L_simem_size_0:
called_computation_lowered:
.L_overlay_start_0:
0x88: {  	s2 =	sld [smem:$0x3FD9]  }
0x89: {  	s3 =	sld [smem:$0x3FFE];
	_ =	sdelay $0x1  }
0x8a: {  	s1 =	srdreg.scid  }
0x8b: {  	s0 =	sand.u32 $0x1, s1  }
0x8c: {  	s17 =	sshll.u32 s0, $0xA;
	s2 =	sadd.s32 s3, s2  }
0x8d: {  	s2 =	sadd.s32 s2, s17  }
0x8e: {  	[smem:$0x3FC5] =	sst s2  }
0x8f: {  	_ = 	snop  }
0x90: {  	s2 =	sld [smem:$0x3FC8]  }
0x91: {  	s18 =	sld [smem:$0x3FD0];
	(tm) =	ssettm $0x1  }
0x92: {  	s4 =	sld [smem:$0x3FFB];
	_ =	sdelay $0x3  }
0x93: {  	_ =	strace s4  }
0x94: {  	s4 =	sld [smem:$0x3FFC];
	_ =	sdelay $0x3  }
0x95: {  	_ =	strace s4  }
0x96: {  	s4 =	sld [smem:$0x3FFD];
	_ =	sdelay $0x3  }
0x97: {  	_ =	strace s4  }
0x98: {  	_ =	strace $0x8FFFFFFF  }
0x99: {  	s19 =	sld [smem:$0x3FDB];
	_ =	sdelay $0x1  }
0x9a: {  	s5 =	simm.s32 $_scs_section_size  }
0x9b: {  	s6 =	simm.s32 $_size__tile_overlayer_lowered;
	s7 =	simm.s32 $_tile_overlayer_lowered  }
0x9c: {  	s22 =	simm.s32 $0x1BFF;
	s21 =	sshll.u32 s7, $0x1;
	s4 =	sadd.s32 s5, s19  }
0x9d: {  	s8 =	simm.s32 $0x0;
	s20 =	sshll.u32 s6, $0x1;
	s6 =	sadd.s32 s21, s4  }
0x9e: {  	[timem:s8], [sflag:s22] =	dma.local [hbm:s6], s20  }
0x9f: {  	_ =	swait.ge [sflag:s22], s20  }
0xa0: {  	s5 =	ssub.s32 $0x0, s20;
	[sflag:s22] =	ssyncset.done $0x0  }
0xa1: {  	[sflag:s22] =	ssyncadd.s32 s5;
	_ =	sdelay $0x1  }
0xa2: {  	s23 =	simm.s32 $0x1B8B  }
0xa3: {  	_ =	swait.ge [sflag:s23], $0x1  }
0xa4: {  	[sflag:s23] =	ssyncset.done $0x0  }
0xa5: {  	s25 =	simm.s32 $0x1B8E;
	s24 =	sld [smem:$0x3FFE];
	[sflag:s23] =	ssyncadd.s32 $0xFFFFFFFF  }
0xa6: {  	s26 =	simm.s32 $execute0_lowered;
	[smem:$0x3FD2] =	sst s25  }
0xa7: {  	s6 =	sshll.u32 s26, $0x1;
	_ =	strace $0x80000046;
	[dreg:$0x1] =	wrdreg $0xFFFFFFFF  }
0xa8: {  	s28 =	simm.s32 $_size_execute0_lowered;
	s4 =	sadd.s32 s4, s6;
	[dreg:$0x0] =	wrdreg $0x0  }
0xa9: {  	s6 =	sshll.u32 s28, $0x1;
	[dreg:$0x2] =	wrdreg s4  }
0xaa: {  	[dreg:$0x3] =	wrdreg s6  }
0xab: {  	[dreg:$0x4] =	wrdreg $0xC0  }
0xac: {  	_ =	task [dreg:s8], $0x5FFFF  }
0xad: {  	[dreg:$0x1] =	wrdreg $0xFFFFFFFF  }
0xae: {  	[dreg:$0x0] =	wrdreg $0x60  }
0xaf: {  	[dreg:$0x2] =	wrdreg s24  }
0xb0: {  	[dreg:$0x3] =	wrdreg s2  }
0xb1: {  	[dreg:$0x4] =	wrdreg s18  }
0xb2: {  	[dreg:$0x5] =	wrdreg $0x9  }
0xb3: {  	_ =	task.clear_ibuf [dreg:s8], $0x6FFFF;
	_ =	strace $0x90000046  }
0xb4: {  	s29 =	simm.s32 $0x9;
	_ =	strace $0x80000048  }
0xb5: {  	_ =	swait.ge [sflag:s29], $0x1  }
0xb6: {  	[sflag:s29] =	ssyncadd.s32 $0xFFFFFFFF  }
0xb7: {  	_ =	strace $0x90000048  }
0xb8: {  	_ =	sfence  }
0xb9: {  	s30 =	sld [smem:$0x0];
	_ =	sdelay $0x2  }
0xba: {  	s31 =	sshll.u32 s1, $0xD;
	s1 =	sshrl.u32 s1, $0x2  }
0xbb: {  	s3 =	sand.u32 $0x4000, s31;
	s1 =	sadd.s32 s1, s30  }
0xbc: {  	s0 =	sor.u32 s3, s0;
	s1 =	sshll.u32 s1, $0x11  }
0xbd: {  	s0 =	sor.u32 s1, s0  }
0xbe: {  	s0 =	sadd.s32 $0x8F2B, s0  }
0xbf: {  	[sflag:s0] =	ssyncadd.remote.s32 $0x1  }
0xc0: {  	_ =	sfence.sel $0xFFFF  }
0xc1: {  	[dreg:$0x0] =	wrdreg $0xFFFFFFFF;
	(pc) =	sbr.abs _section_cstart, $3  }
0xc2: {  	[dreg:$0x1] =	wrdreg $0xFFFFFFFF  }
0xc3: {  	_ =	task.clear_ibuf [dreg:s8], $0x2FFFF;
	_ =	strace $0x9FFFFFFF  }
0xc4: {  	(tm) =	ssettm $0x7FFFFFFF  }
0xc5: {  	_ =	shalt  }
tec
execute0_lowered:
.L_overlay_start_1:
0x0: {  	(tag) =	ssettag $0x1  }
0x1: {  	s3 =	rddreg [dreg:$0x0]  }
0x2: {  	s4 =	rddreg [dreg:$0x1]  }
0x3: {  	s1 =	srdreg.scid;
	s0 =	stileid.u32  }
0x4: {  	s6 =	rddreg [dreg:$0x2];
	s2 =	simm.s32 $0x0;
	s10 =	simm.s32 $0x80  }
0x5: {  	s11 =	simm.s32 $0x200;
	s12 =	simm.s32 $0xA00;
	s13 =	simm.s32 $0x100  }
0x6: {  	s14 =	simm.s32 $0x1200;
	s15 =	simm.s32 $0x180;
	s16 =	simm.s32 $0x1A00  }
0x7: {  	s17 =	simm.s32 $0x2;
	s18 =	simm.s32 $0x1;
	s19 =	simm.s32 $0x4200  }
0x8: {  	s5 =	sand.u32 $0x1, s1;
	s7 =	sshll.u32 s0, $0x1;
	s1 =	rddreg [dreg:$0x3]  }
0x9: {  	s20 =	simm.s32 $0x0;
	[smem:$0x7FF] =	sst s2;
	s7 =	sor.u32 s5, s7  }
0xa: {  	s5 =	ssub.s32 $0x2, s5;
	_ =	strace $0x80000047;
	s8 =	sshll.u32 s7, $0xA  }
0xb: {  	s9 =	sshrl.u32 s5, $0x1;
	s31 =	sshll.u32 s7, $0x6;
	s7 =	sshll.u32 s7, $0x1  }
0xc: {  	s8 =	sadd.s32 s8, s3;
	s3 =	sadd.s32 $0xF42A00, s3;
	s9 =	ssub.s32 s5, s9  }
0xd: {  	s4 =	sadd.s32 s4, s31;
	s6 =	sadd.s32 s6, s7;
	s5 =	sadd.s32 $0x600, s8  }
0xe: {  	s7 =	smax.u32 s9, $0x1;
	s8 =	simm.s32 $0x3;
	s9 =	simm.s32 $0x2200  }
.LBB2_1:
0xf: {  	[tilespmem:s2], [sflag:$0x3] =	stream.linear.gather [hbm4b:s4+s2], $0x200, $0x38;
	[tilespmem:$0x4210] =	vst v63  }
0x10: {  	_ =	swait.ge [sflag:s8], $0x200  }
0x11: {  	[sflag:s8] =	ssyncset.done $0x0  }
0x12: {  	[sflag:s8] =	ssyncadd.s32 $0xFFFFFE00  }
0x13: {  	[tilespmem:s9], [sflag:$0x2] =	stream.linear.gather [hbm4b:s5+s2], $0x2000, $0x38;
	[tilespmem:$0x4210] =	vst v63  }
0x14: {  	_ = 	snop  }
0x15: {  	[tilespmem:s11], [sflag:$0x1] =	stream.indirect.gather [hbm4b:s3+s10], $0x10, s2, s10, $0xb8;
	[tilespmem:$0x4210] =	vst v63  }
0x16: {  	_ = 	snop  }
0x17: {  	[tilespmem:s12], [sflag:$0x1] =	stream.indirect.gather [hbm4b:s3+s10], $0x10, s10, s10, $0xb8;
	[tilespmem:$0x4210] =	vst v63  }
0x18: {  	_ = 	snop  }
0x19: {  	[tilespmem:s14], [sflag:$0x1] =	stream.indirect.gather [hbm4b:s3+s10], $0x10, s13, s10, $0xb8;
	[tilespmem:$0x4210] =	vst v63  }
0x1a: {  	_ = 	snop  }
0x1b: {  	[tilespmem:s16], [sflag:$0x1] =	stream.indirect.gather [hbm4b:s3+s10], $0x10, s15, s10, $0xb8;
	[tilespmem:$0x4210] =	vst v63  }
0x1c: {  	_ =	swait.ge [sflag:s17], $0x2000  }
0x1d: {  	[sflag:s17] =	ssyncset.done $0x0  }
0x1e: {  	[sflag:s17] =	ssyncadd.s32 $0xFFFFE000  }
0x1f: {  	_ =	swait.ge [sflag:s18], $0x800  }
0x20: {  	[sflag:s18] =	ssyncset.done $0x0  }
0x21: {  	[sflag:s18] =	ssyncadd.s32 $0xFFFFF800  }
0x22: {  	_ =	swait.ge [sflag:s18], $0x800  }
0x23: {  	[sflag:s18] =	ssyncset.done $0x0  }
0x24: {  	[sflag:s18] =	ssyncadd.s32 $0xFFFFF800  }
0x25: {  	_ =	swait.ge [sflag:s18], $0x800  }
0x26: {  	[sflag:s18] =	ssyncset.done $0x0  }
0x27: {  	[sflag:s18] =	ssyncadd.s32 $0xFFFFF800  }
0x28: {  	_ =	swait.ge [sflag:s18], $0x800  }
0x29: {  	[sflag:s18] =	ssyncset.done $0x0  }
0x2a: {  	s22 =	simm.s32 $0x0;
	[sflag:s18] =	ssyncadd.s32 $0xFFFFF800  }
0x2b: {  	v5 =	vld [tilespmem:s22+$0x270]  }
0x2c: {  	v7 =	vld [tilespmem:s22+$0x260]  }
0x2d: {  	v10 =	vld [tilespmem:s22+$0x250]  }
0x2e: {  	v12 =	vld [tilespmem:s22+$0x230]  }
0x2f: {  	v11 =	vld [tilespmem:s22+$0x240]  }
0x30: {  	v13 =	vld [tilespmem:s22+$0x210]  }
0x31: {  	v14 =	vld [tilespmem:s22+$0x220];
	_ =	sdelay $0x1  }
0x32: {  	v0 =	vand.u32 $0x7FFFFFFF, v7;
	v1 =	vand.u32 $0x7FFFFFFF, v5;
	v2 =	vand.u32 $0x7FFFFFFF, v12  }
0x33: {  	v3 =	vand.u32 $0x7FFFFFFF, v11;
	v4 =	vand.u32 $0x7FFFFFFF, v10;
	v1 =	vsub.f32 $0.0e+00, v1  }
0x34: {  	v15 =	vld [tilespmem:s22+$0x200];
	v6 =	vand.u32 $0x7FFFFFFF, v13;
	v0 =	vsub.f32 $0.0e+00, v0;
	v4 =	vsub.f32 $0.0e+00, v4  }
0x35: {  	v8 =	vand.u32 $0x7FFFFFFF, v14;
	v3 =	vsub.f32 $0.0e+00, v3;
	v1 =	vmul.f32 $1.442695020e+00, v1  }
0x36: {  	v6 =	vsub.f32 $0.0e+00, v6;
	v16 =	vmul.f32 $1.442695020e+00, v0;
	v4 =	vmul.f32 $1.442695020e+00, v4  }
0x37: {  	s21 =	simm.s32 $0x80;
	v2 =	vsub.f32 $0.0e+00, v2;
	v3 =	vmul.f32 $1.442695020e+00, v3;
	(erf) = vpow2.f32 v1  }
0x38: {  	v8 =	vsub.f32 $0.0e+00, v8;
	v0 =	vld [tilespmem:s21+$0x270];
	v17 =	vmul.f32 $1.442695020e+00, v6;
	(erf) = vpow2.f32 v16  }
0x39: {  	v9 =	vand.u32 $0x7FFFFFFF, v15;
	v6 =	vld [tilespmem:s21+$0x220];
	v16 =	vmul.f32 $1.442695020e+00, v2;
	(erf) = vpow2.f32 v4  }
0x3a: {  	v9 =	vsub.f32 $0.0e+00, v9;
	v8 =	vmul.f32 $1.442695020e+00, v8;
	v1 =	vld [tilespmem:s21+$0x260];
	(erf) = vpow2.f32 v3  }
0x3b: {  	v2 =	vld [tilespmem:s21+$0x250];
	(erf) = vpow2.f32 v16  }
0x3c: {  	v20 =	vimm.f32 $0.0e+00;
	v4 =	vld [tilespmem:s21+$0x240];
	v16 =	vmul.f32 $1.442695020e+00, v9;
	(erf) = vpow2.f32 v8  }
0x3d: {  	v5 =	vmax.f32 v5, $0.0e+00;
	v18 =	vmax.f32 v11, $0.0e+00;
	(erf) = vpow2.f32 v17  }
0x3e: {  	v25 =	vmax.f32 v13, $0.0e+00;
	v23 =	vmax.f32 v14, $0.0e+00;
	v3 =	vld [tilespmem:s21+$0x230];
	(erf) = vpow2.f32 v16  }
0x3f: {  	v21 =	vmax.f32 v12, $0.0e+00;
	v26 =	vmax.f32 v15, $0.0e+00;
	v12 =	vand.u32 $0x7FFFFFFF, v6  }
0x40: {  	v9 =	vmax.f32 v7, $0.0e+00;
	v13 =	vand.u32 $0x7FFFFFFF, v1;
	v17 =	vmax.f32 v10, $0.0e+00;
	v19 =	vpop (erf)  }
0x41: {  	v10 =	vand.u32 $0x7FFFFFFF, v0;
	v15 =	vand.u32 $0x7FFFFFFF, v2;
	v14 =	vand.u32 $0x7FFFFFFF, v4;
	v24 =	vpop (erf)  }
0x42: {  	v22 =	vsub.f32 $0.0e+00, v10;
	v15 =	vsub.f32 $0.0e+00, v15;
	v31 =	vmul.f32 $1.011908330e-02, v19;
	v28 =	vpop (erf)  }
0x43: {  	v16 =	vsub.f32 $0.0e+00, v13;
	v27 =	vand.u32 $0x7FFFFFFF, v3;
	v30 =	vmul.f32 $1.011908330e-02, v24;
	v29 =	vpop (erf)  }
0x44: {  	v14 =	vsub.f32 $0.0e+00, v14;
	v33 =	vmul.f32 $1.011908330e-02, v28;
	v31 =	vadd.f32 $-5.262485150e-02, v31;
	v32 =	vpop (erf)  }
0x45: {  	v13 =	vsub.f32 $0.0e+00, v27;
	v27 =	vmul.f32 $1.011908330e-02, v29;
	v30 =	vadd.f32 $-5.262485150e-02, v30;
	v34 =	vpop (erf)  }
0x46: {  	v36 =	vmul.f32 $1.011908330e-02, v32;
	v33 =	vadd.f32 $-5.262485150e-02, v33;
	v31 =	vmul.f32 v31, v19;
	v37 =	vpop (erf)  }
0x47: {  	v35 =	vmul.f32 $1.011908330e-02, v34;
	v27 =	vadd.f32 $-5.262485150e-02, v27;
	v30 =	vmul.f32 v30, v24;
	v39 =	vpop (erf)  }
0x48: {  	v38 =	vmul.f32 $1.011908330e-02, v37;
	v36 =	vadd.f32 $-5.262485150e-02, v36;
	v40 =	vmul.f32 $1.011908330e-02, v39  }
0x49: {  	v33 =	vmul.f32 v33, v28;
	v31 =	vadd.f32 $1.307650360e-01, v31;
	v35 =	vadd.f32 $-5.262485150e-02, v35  }
0x4a: {  	v27 =	vmul.f32 v27, v29;
	v30 =	vadd.f32 $1.307650360e-01, v30;
	v40 =	vadd.f32 $-5.262485150e-02, v40  }
0x4b: {  	v38 =	vadd.f32 $-5.262485150e-02, v38;
	v36 =	vmul.f32 v36, v32;
	v31 =	vmul.f32 v31, v19  }
0x4c: {  	v33 =	vadd.f32 $1.307650360e-01, v33;
	v35 =	vmul.f32 v35, v34;
	v40 =	vmul.f32 v40, v39  }
0x4d: {  	v27 =	vadd.f32 $1.307650360e-01, v27;
	v30 =	vmul.f32 v30, v24;
	v38 =	vmul.f32 v38, v37  }
0x4e: {  	v36 =	vadd.f32 $1.307650360e-01, v36;
	v33 =	vmul.f32 v33, v28;
	v40 =	vadd.f32 $1.307650360e-01, v40  }
0x4f: {  	v31 =	vadd.f32 $-2.228362560e-01, v31;
	v35 =	vadd.f32 $1.307650360e-01, v35;
	v27 =	vmul.f32 v27, v29  }
0x50: {  	v30 =	vadd.f32 $-2.228362560e-01, v30;
	v38 =	vadd.f32 $1.307650360e-01, v38;
	v40 =	vmul.f32 v40, v39  }
0x51: {  	v36 =	vmul.f32 v36, v32;
	v33 =	vadd.f32 $-2.228362560e-01, v33;
	v31 =	vmul.f32 v31, v19  }
0x52: {  	v35 =	vmul.f32 v35, v34;
	v38 =	vmul.f32 v38, v37;
	v40 =	vadd.f32 $-2.228362560e-01, v40  }
0x53: {  	v27 =	vadd.f32 $-2.228362560e-01, v27;
	v30 =	vmul.f32 v30, v24;
	v36 =	vadd.f32 $-2.228362560e-01, v36  }
0x54: {  	v33 =	vmul.f32 v33, v28;
	v38 =	vadd.f32 $-2.228362560e-01, v38;
	v40 =	vmul.f32 v40, v39  }
0x55: {  	v31 =	vadd.f32 $3.269731100e-01, v31;
	v35 =	vadd.f32 $-2.228362560e-01, v35;
	v27 =	vmul.f32 v27, v29  }
0x56: {  	v30 =	vadd.f32 $3.269731100e-01, v30;
	v38 =	vmul.f32 v38, v37;
	v40 =	vadd.f32 $3.269731100e-01, v40  }
0x57: {  	v33 =	vadd.f32 $3.269731100e-01, v33;
	v36 =	vmul.f32 v36, v32;
	v31 =	vmul.f32 v31, v19  }
0x58: {  	v35 =	vmul.f32 v35, v34;
	v38 =	vadd.f32 $3.269731100e-01, v38;
	v40 =	vmul.f32 v40, v39  }
0x59: {  	v27 =	vadd.f32 $3.269731100e-01, v27;
	v30 =	vmul.f32 v30, v24;
	v36 =	vadd.f32 $3.269731100e-01, v36  }
0x5a: {  	v35 =	vadd.f32 $3.269731100e-01, v35;
	v38 =	vmul.f32 v38, v37;
	v40 =	vadd.f32 $-4.992065730e-01, v40  }
0x5b: {  	v33 =	vmul.f32 v33, v28;
	v31 =	vadd.f32 $-4.992065730e-01, v31;
	v30 =	vadd.f32 $-4.992065730e-01, v30  }
0x5c: {  	v35 =	vmul.f32 v35, v34;
	v38 =	vadd.f32 $-4.992065730e-01, v38;
	v40 =	vmul.f32 v40, v39  }
0x5d: {  	v27 =	vmul.f32 v27, v29;
	v36 =	vmul.f32 v36, v32;
	v33 =	vadd.f32 $-4.992065730e-01, v33  }
0x5e: {  	v35 =	vadd.f32 $-4.992065730e-01, v35;
	v38 =	vmul.f32 v38, v37;
	v40 =	vadd.f32 $9.999575010e-01, v40  }
0x5f: {  	v31 =	vmul.f32 v31, v19;
	v30 =	vmul.f32 v30, v24;
	v36 =	vadd.f32 $-4.992065730e-01, v36  }
0x60: {  	v35 =	vmul.f32 v35, v34;
	v38 =	vadd.f32 $9.999575010e-01, v38;
	v39 =	vmul.f32 v40, v39  }
0x61: {  	v56 =	vld [tilespmem:s22+$0x2200];
	v27 =	vadd.f32 $-4.992065730e-01, v27;
	v33 =	vmul.f32 v33, v28;
	v36 =	vmul.f32 v36, v32  }
0x62: {  	v35 =	vadd.f32 $9.999575010e-01, v35;
	v37 =	vmul.f32 v38, v37;
	v39 =	vadd.f32 $5.621959080e-07, v39  }
0x63: {  	v57 =	vld [tilespmem:s22+$0x2210];
	v62 =	vadd.f32 $9.999575010e-01, v31;
	v27 =	vmul.f32 v27, v29;
	v36 =	vadd.f32 $9.999575010e-01, v36  }
0x64: {  	v7 =	vld [tilespmem:s21+$0x200];
	v34 =	vmul.f32 v35, v34;
	v37 =	vadd.f32 $5.621959080e-07, v37;
	v26 =	vadd.f32 v39, v26  }
0x65: {  	v58 =	vld [tilespmem:s22+$0x2220];
	v61 =	vadd.f32 $9.999575010e-01, v30;
	v27 =	vadd.f32 $9.999575010e-01, v27;
	v32 =	vmul.f32 v36, v32  }
0x66: {  	v59 =	vld [tilespmem:s22+$0x2230];
	v34 =	vadd.f32 $5.621959080e-07, v34;
	v25 =	vadd.f32 v37, v25;
	v26 =	vmul.f32 v26, v56  }
0x67: {  	v60 =	vadd.f32 $9.999575010e-01, v33;
	v27 =	vmul.f32 v27, v29;
	v32 =	vadd.f32 $5.621959080e-07, v32  }
0x68: {  	v8 =	vld [tilespmem:s21+$0x210];
	v23 =	vadd.f32 v34, v23;
	v25 =	vmul.f32 v25, v57;
	v20 =	vadd.f32 v26, v20  }
0x69: {  	v10 =	vand.u32 $0x7FFFFFFF, v7;
	v27 =	vadd.f32 $5.621959080e-07, v27;
	v21 =	vadd.f32 v32, v21;
	v26 =	vld [tilespmem:s22+$0x2240]  }
0x6a: {  	v28 =	vmul.f32 v60, v28;
	v23 =	vmul.f32 v23, v58;
	v20 =	vadd.f32 v25, v20  }
0x6b: {  	v24 =	vmul.f32 v61, v24;
	v27 =	vadd.f32 v27, v18;
	v63 =	vmul.f32 v21, v59;
	v21 =	vld [tilespmem:s22+$0x2250]  }
0x6c: {  	v22 =	vmul.f32 $1.442695020e+00, v22;
	v25 =	vadd.f32 $5.621959080e-07, v28;
	v23 =	vadd.f32 v23, v20  }
0x6d: {  	v11 =	vand.u32 $0x7FFFFFFF, v8;
	v18 =	vld [tilespmem:s22+$0x2260];
	v20 =	vadd.f32 $5.621959080e-07, v24;
	v24 =	vmul.f32 v62, v19  }
0x6e: {  	s23 =	simm.s32 $0x400;
	v17 =	vadd.f32 v25, v17;
	v19 =	vadd.f32 v63, v23;
	v23 =	vmul.f32 v27, v26  }
.LBB2_2:
0x6f: {  	p0 =	sne.s32 s23, $0x7E00;
	v15 =	vmul.f32 $1.442695020e+00, v15;
	v16 =	vmul.f32 $1.442695020e+00, v16;
	v25 =	vld [tilespmem:s22+$0x2270];
	v24 =	vadd.f32 $5.621959080e-07, v24;
	s22 =	smov.u32 s21  }
0x70: {  	v9 =	vadd.f32 v20, v9;
	v19 =	vadd.f32 v23, v19;
	v17 =	vmul.f32 v17, v21  }
0x71: {  	s21 =	sshra.s32 s23, $0x2;
	v12 =	vsub.f32 $0.0e+00, v12;
	v14 =	vmul.f32 $1.442695020e+00, v14;
	(erf) = vpow2.f32 v22  }
0x72: {  	v5 =	vadd.f32 v24, v5;
	v21 =	vld [tilespmem:s21+$0x270];
	v17 =	vadd.f32 v17, v19;
	v9 =	vmul.f32 v9, v18  }
0x73: {  	v11 =	vsub.f32 $0.0e+00, v11;
	v13 =	vmul.f32 $1.442695020e+00, v13;
	v18 =	vld [tilespmem:s21+$0x260];
	(erf) = vpow2.f32 v16  }
0x74: {  	v16 =	vld [tilespmem:s21+$0x250];
	(erf) = vpow2.f32 v15;
	v9 =	vadd.f32 v9, v17;
	v5 =	vmul.f32 v5, v25  }
0x75: {  	v10 =	vsub.f32 $0.0e+00, v10;
	v12 =	vmul.f32 $1.442695020e+00, v12;
	v15 =	vld [tilespmem:s21+$0x240];
	(erf) = vpow2.f32 v14  }
0x76: {  	v11 =	vmul.f32 $1.442695020e+00, v11;
	v14 =	vld [tilespmem:s21+$0x230];
	(erf) = vpow2.f32 v13;
	v20 =	vadd.f32 v5, v9  }
0x77: {  	v10 =	vmul.f32 $1.442695020e+00, v10;
	v31 =	vld [tilespmem:s21+$0x220];
	(erf) = vpow2.f32 v12  }
0x78: {  	v9 =	vmax.f32 v1, $0.0e+00;
	v5 =	vmax.f32 v0, $0.0e+00;
	v0 =	vmovc v21;
	v32 =	vld [tilespmem:s21+$0x210];
	(erf) = vpow2.f32 v11;
	v1 =	vmovc v18  }
0x79: {  	v17 =	vmax.f32 v2, $0.0e+00;
	v18 =	vmax.f32 v4, $0.0e+00;
	v33 =	vld [tilespmem:s21+$0x200];
	(erf) = vpow2.f32 v10;
	v2 =	vmovc v16  }
0x7a: {  	v23 =	vmax.f32 v6, $0.0e+00;
	v25 =	vmax.f32 v8, $0.0e+00;
	v21 =	vmax.f32 v3, $0.0e+00;
	v19 =	vpop (erf)  }
0x7b: {  	v27 =	vmax.f32 v7, $0.0e+00;
	v8 =	vand.u32 $0x7FFFFFFF, v0;
	v6 =	vand.u32 $0x7FFFFFFF, v1;
	v4 =	vmovc v15;
	v3 =	vmovc v14  }
0x7c: {  	v13 =	vand.u32 $0x7FFFFFFF, v4;
	v14 =	vand.u32 $0x7FFFFFFF, v2;
	v7 =	vand.u32 $0x7FFFFFFF, v3;
	v24 =	vpop (erf)  }
0x7d: {  	v22 =	vsub.f32 $0.0e+00, v8;
	v12 =	vand.u32 $0x7FFFFFFF, v31;
	v11 =	vand.u32 $0x7FFFFFFF, v32;
	v26 =	vpop (erf)  }
0x7e: {  	v16 =	vsub.f32 $0.0e+00, v6;
	v15 =	vsub.f32 $0.0e+00, v14;
	v10 =	vand.u32 $0x7FFFFFFF, v33;
	v28 =	vpop (erf)  }
0x7f: {  	v8 =	vmul.f32 $1.011908330e-02, v19;
	v14 =	vsub.f32 $0.0e+00, v13;
	v6 =	vmul.f32 $1.011908330e-02, v24;
	v29 =	vpop (erf)  }
0x80: {  	v13 =	vsub.f32 $0.0e+00, v7;
	v34 =	vmul.f32 $1.011908330e-02, v26;
	v7 =	vmul.f32 $1.011908330e-02, v28;
	v30 =	vpop (erf)  }
0x81: {  	v37 =	vadd.f32 $-5.262485150e-02, v8;
	v36 =	vmul.f32 $1.011908330e-02, v29;
	v35 =	vmul.f32 $1.011908330e-02, v30;
	v38 =	vpop (erf)  }
0x82: {  	v40 =	vadd.f32 $-5.262485150e-02, v6;
	v34 =	vadd.f32 $-5.262485150e-02, v34;
	v39 =	vmul.f32 $1.011908330e-02, v38;
	v41 =	vpop (erf)  }
0x83: {  	v8 =	vmovc v32;
	v43 =	vadd.f32 $-5.262485150e-02, v7;
	v6 =	vmovc v31;
	v36 =	vadd.f32 $-5.262485150e-02, v36;
	v42 =	vmul.f32 $1.011908330e-02, v41  }
0x84: {  	v32 =	vmul.f32 v40, v24;
	v31 =	vadd.f32 $-5.262485150e-02, v35;
	v35 =	vmul.f32 v37, v19;
	v7 =	vmovc v33  }
0x85: {  	v34 =	vmul.f32 v34, v26;
	v37 =	vmul.f32 v43, v28;
	v33 =	vadd.f32 $-5.262485150e-02, v42  }
0x86: {  	v39 =	vadd.f32 $-5.262485150e-02, v39;
	v36 =	vmul.f32 v36, v29;
	v31 =	vmul.f32 v31, v30  }
0x87: {  	v32 =	vadd.f32 $1.307650360e-01, v32;
	v35 =	vadd.f32 $1.307650360e-01, v35;
	v33 =	vmul.f32 v33, v41  }
0x88: {  	v34 =	vadd.f32 $1.307650360e-01, v34;
	v37 =	vadd.f32 $1.307650360e-01, v37;
	v39 =	vmul.f32 v39, v38  }
0x89: {  	v36 =	vadd.f32 $1.307650360e-01, v36;
	v35 =	vmul.f32 v35, v19;
	v33 =	vadd.f32 $1.307650360e-01, v33  }
0x8a: {  	v32 =	vmul.f32 v32, v24;
	v34 =	vmul.f32 v34, v26;
	v31 =	vadd.f32 $1.307650360e-01, v31  }
0x8b: {  	v37 =	vmul.f32 v37, v28;
	v39 =	vadd.f32 $1.307650360e-01, v39;
	v33 =	vmul.f32 v33, v41  }
0x8c: {  	v32 =	vadd.f32 $-2.228362560e-01, v32;
	v36 =	vmul.f32 v36, v29;
	v35 =	vadd.f32 $-2.228362560e-01, v35  }
0x8d: {  	v34 =	vadd.f32 $-2.228362560e-01, v34;
	v39 =	vmul.f32 v39, v38;
	v33 =	vadd.f32 $-2.228362560e-01, v33  }
0x8e: {  	v31 =	vmul.f32 v31, v30;
	v37 =	vadd.f32 $-2.228362560e-01, v37;
	v36 =	vadd.f32 $-2.228362560e-01, v36  }
0x8f: {  	v35 =	vmul.f32 v35, v19;
	v39 =	vadd.f32 $-2.228362560e-01, v39;
	v33 =	vmul.f32 v33, v41  }
0x90: {  	v32 =	vmul.f32 v32, v24;
	v34 =	vmul.f32 v34, v26;
	v31 =	vadd.f32 $-2.228362560e-01, v31  }
0x91: {  	v37 =	vmul.f32 v37, v28;
	v39 =	vmul.f32 v39, v38;
	v33 =	vadd.f32 $3.269731100e-01, v33  }
0x92: {  	v32 =	vadd.f32 $3.269731100e-01, v32;
	v31 =	vmul.f32 v31, v30;
	v35 =	vadd.f32 $3.269731100e-01, v35  }
0x93: {  	v34 =	vadd.f32 $3.269731100e-01, v34;
	v39 =	vadd.f32 $3.269731100e-01, v39;
	v33 =	vmul.f32 v33, v41  }
0x94: {  	v36 =	vmul.f32 v36, v29;
	v37 =	vadd.f32 $3.269731100e-01, v37;
	v31 =	vadd.f32 $3.269731100e-01, v31  }
0x95: {  	v35 =	vmul.f32 v35, v19;
	v39 =	vmul.f32 v39, v38;
	v33 =	vadd.f32 $-4.992065730e-01, v33  }
0x96: {  	v32 =	vmul.f32 v32, v24;
	v36 =	vadd.f32 $3.269731100e-01, v36;
	v34 =	vmul.f32 v34, v26  }
0x97: {  	v31 =	vmul.f32 v31, v30;
	v39 =	vadd.f32 $-4.992065730e-01, v39;
	v33 =	vmul.f32 v33, v41  }
0x98: {  	v32 =	vadd.f32 $-4.992065730e-01, v32;
	v36 =	vmul.f32 v36, v29;
	v35 =	vadd.f32 $-4.992065730e-01, v35  }
0x99: {  	v31 =	vadd.f32 $-4.992065730e-01, v31;
	v39 =	vmul.f32 v39, v38;
	v33 =	vadd.f32 $9.999575010e-01, v33  }
0x9a: {  	v37 =	vmul.f32 v37, v28;
	v34 =	vadd.f32 $-4.992065730e-01, v34;
	v36 =	vadd.f32 $-4.992065730e-01, v36  }
0x9b: {  	v31 =	vmul.f32 v31, v30;
	v39 =	vadd.f32 $9.999575010e-01, v39;
	v33 =	vmul.f32 v33, v41  }
0x9c: {  	v37 =	vadd.f32 $-4.992065730e-01, v37;
	v35 =	vmul.f32 v35, v19;
	v36 =	vmul.f32 v36, v29;
	v40 =	vld [tilespmem:s22+$0x2200]  }
0x9d: {  	v31 =	vadd.f32 $9.999575010e-01, v31;
	v38 =	vmul.f32 v39, v38;
	v33 =	vadd.f32 $5.621959080e-07, v33  }
0x9e: {  	v32 =	vmul.f32 v32, v24;
	v37 =	vmul.f32 v37, v28;
	v36 =	vadd.f32 $9.999575010e-01, v36;
	v39 =	vld [tilespmem:s22+$0x2210]  }
0x9f: {  	v30 =	vmul.f32 v31, v30;
	v27 =	vadd.f32 v33, v27;
	v33 =	vadd.f32 $5.621959080e-07, v38  }
0xa0: {  	v34 =	vmul.f32 v34, v26;
	v29 =	vmul.f32 v36, v29;
	v36 =	vadd.f32 $9.999575010e-01, v37;
	v31 =	vld [tilespmem:s22+$0x2220]  }
0xa1: {  	v30 =	vadd.f32 $5.621959080e-07, v30;
	v27 =	vmul.f32 v27, v40;
	v25 =	vadd.f32 v33, v25  }
0xa2: {  	v34 =	vadd.f32 $9.999575010e-01, v34;
	v29 =	vadd.f32 $5.621959080e-07, v29;
	v28 =	vmul.f32 v36, v28;
	v33 =	vld [tilespmem:s22+$0x2230]  }
0xa3: {  	v23 =	vadd.f32 v30, v23;
	v20 =	vadd.f32 v27, v20;
	v25 =	vmul.f32 v25, v39  }
0xa4: {  	v26 =	vmul.f32 v34, v26;
	v28 =	vadd.f32 $5.621959080e-07, v28;
	v30 =	vadd.f32 $9.999575010e-01, v32;
	v27 =	vld [tilespmem:s22+$0x2240]  }
.Ltmp0:
0xa5: {  	v20 =	vadd.f32 v25, v20;
	v23 =	vmul.f32 v23, v31;
	v25 =	vadd.f32 v29, v21;
	(pc) =	sbr.rel @p0 .LBB2_2-.Ltmp0, $4  }
0xa6: {  	v26 =	vadd.f32 $5.621959080e-07, v26;
	v24 =	vmul.f32 v30, v24;
	v29 =	vadd.f32 $9.999575010e-01, v35;
	v21 =	vld [tilespmem:s22+$0x2250]  }
0xa7: {  	v28 =	vadd.f32 v28, v18;
	v23 =	vadd.f32 v23, v20;
	v25 =	vmul.f32 v25, v33  }
0xa8: {  	v22 =	vmul.f32 $1.442695020e+00, v22;
	v20 =	vadd.f32 $5.621959080e-07, v24;
	v24 =	vmul.f32 v29, v19;
	v18 =	vld [tilespmem:s22+$0x2260]  }
0xa9: {  	s23 =	sadd.s32 $0x200, s23;
	v17 =	vadd.f32 v26, v17;
	v19 =	vadd.f32 v25, v23;
	v23 =	vmul.f32 v28, v27  }
0xaa: {  	v16 =	vmul.f32 $1.442695020e+00, v16  }
0xab: {  	v15 =	vmul.f32 $1.442695020e+00, v15;
	(erf) = vpow2.f32 v22  }
0xac: {  	v12 =	vsub.f32 $0.0e+00, v12;
	v14 =	vmul.f32 $1.442695020e+00, v14;
	(erf) = vpow2.f32 v16  }
0xad: {  	v11 =	vsub.f32 $0.0e+00, v11;
	v13 =	vmul.f32 $1.442695020e+00, v13;
	(erf) = vpow2.f32 v15  }
0xae: {  	v10 =	vsub.f32 $0.0e+00, v10;
	v12 =	vmul.f32 $1.442695020e+00, v12;
	(erf) = vpow2.f32 v14  }
0xaf: {  	v11 =	vmul.f32 $1.442695020e+00, v11;
	(erf) = vpow2.f32 v13  }
0xb0: {  	v10 =	vmul.f32 $1.442695020e+00, v10;
	(erf) = vpow2.f32 v12  }
0xb1: {  	(erf) = vpow2.f32 v11  }
0xb2: {  	v24 =	vadd.f32 $5.621959080e-07, v24;
	v33 =	vld [tilespmem:s22+$0x2270];
	(erf) = vpow2.f32 v10  }
0xb3: {  	v9 =	vadd.f32 v20, v9;
	v17 =	vmul.f32 v17, v21;
	v34 =	vadd.f32 v23, v19  }
0xb4: {  	v38 =	vpop (erf)  }
0xb5: {  	v5 =	vadd.f32 v24, v5;
	v35 =	vadd.f32 v17, v34;
	v9 =	vmul.f32 v9, v18;
	v39 =	vpop (erf)  }
0xb6: {  	v4 =	vmax.f32 v4, $0.0e+00;
	v8 =	vmax.f32 v8, $0.0e+00;
	v43 =	vmul.f32 $1.011908330e-02, v38;
	v40 =	vpop (erf)  }
0xb7: {  	v6 =	vmax.f32 v6, $0.0e+00;
	v36 =	vadd.f32 v9, v35;
	v37 =	vmul.f32 v5, v33;
	v41 =	vpop (erf)  }
0xb8: {  	v3 =	vmax.f32 v3, $0.0e+00;
	v42 =	vmul.f32 $1.011908330e-02, v39;
	v14 =	vadd.f32 $-5.262485150e-02, v43;
	v44 =	vpop (erf)  }
0xb9: {  	v7 =	vmax.f32 v7, $0.0e+00;
	v10 =	vadd.f32 v37, v36;
	v46 =	vmul.f32 $1.011908330e-02, v40;
	v47 =	vpop (erf)  }
0xba: {  	v45 =	vmul.f32 $1.011908330e-02, v41;
	v13 =	vadd.f32 $-5.262485150e-02, v42;
	v14 =	vmul.f32 v14, v38;
	v50 =	vpop (erf)  }
0xbb: {  	v49 =	vmul.f32 $1.011908330e-02, v44;
	v17 =	vadd.f32 $-5.262485150e-02, v46;
	v48 =	vmul.f32 $1.011908330e-02, v47;
	v52 =	vpop (erf)  }
0xbc: {  	v16 =	vadd.f32 $-5.262485150e-02, v45;
	v13 =	vmul.f32 v13, v39;
	v53 =	vmul.f32 $1.011908330e-02, v52  }
0xbd: {  	v14 =	vadd.f32 $1.307650360e-01, v14;
	v51 =	vmul.f32 $1.011908330e-02, v50;
	v20 =	vadd.f32 $-5.262485150e-02, v49  }
0xbe: {  	v17 =	vmul.f32 v17, v40;
	v19 =	vadd.f32 $-5.262485150e-02, v48;
	v24 =	vadd.f32 $-5.262485150e-02, v53  }
0xbf: {  	v16 =	vmul.f32 v16, v41;
	v13 =	vadd.f32 $1.307650360e-01, v13;
	v14 =	vmul.f32 v14, v38  }
0xc0: {  	v22 =	vadd.f32 $-5.262485150e-02, v51;
	v20 =	vmul.f32 v20, v44;
	v24 =	vmul.f32 v24, v52  }
0xc1: {  	v17 =	vadd.f32 $1.307650360e-01, v17;
	v19 =	vmul.f32 v19, v47;
	v16 =	vadd.f32 $1.307650360e-01, v16  }
0xc2: {  	v13 =	vmul.f32 v13, v39;
	v22 =	vmul.f32 v22, v50;
	v24 =	vadd.f32 $1.307650360e-01, v24  }
0xc3: {  	v14 =	vadd.f32 $-2.228362560e-01, v14;
	v20 =	vadd.f32 $1.307650360e-01, v20;
	v17 =	vmul.f32 v17, v40  }
0xc4: {  	v19 =	vadd.f32 $1.307650360e-01, v19;
	v22 =	vadd.f32 $1.307650360e-01, v22;
	v24 =	vmul.f32 v24, v52  }
0xc5: {  	v16 =	vmul.f32 v16, v41;
	v13 =	vadd.f32 $-2.228362560e-01, v13;
	v14 =	vmul.f32 v14, v38  }
0xc6: {  	v20 =	vmul.f32 v20, v44;
	v22 =	vmul.f32 v22, v50;
	v24 =	vadd.f32 $-2.228362560e-01, v24  }
0xc7: {  	v17 =	vadd.f32 $-2.228362560e-01, v17;
	v19 =	vmul.f32 v19, v47;
	v16 =	vadd.f32 $-2.228362560e-01, v16  }
0xc8: {  	v13 =	vmul.f32 v13, v39;
	v22 =	vadd.f32 $-2.228362560e-01, v22;
	v24 =	vmul.f32 v24, v52  }
0xc9: {  	v14 =	vadd.f32 $3.269731100e-01, v14;
	v20 =	vadd.f32 $-2.228362560e-01, v20;
	v17 =	vmul.f32 v17, v40  }
0xca: {  	v19 =	vadd.f32 $-2.228362560e-01, v19;
	v22 =	vmul.f32 v22, v50;
	v24 =	vadd.f32 $3.269731100e-01, v24  }
0xcb: {  	v16 =	vmul.f32 v16, v41;
	v13 =	vadd.f32 $3.269731100e-01, v13;
	v14 =	vmul.f32 v14, v38  }
0xcc: {  	v19 =	vmul.f32 v19, v47;
	v22 =	vadd.f32 $3.269731100e-01, v22;
	v24 =	vmul.f32 v24, v52  }
0xcd: {  	v17 =	vadd.f32 $3.269731100e-01, v17;
	v20 =	vmul.f32 v20, v44;
	v16 =	vadd.f32 $3.269731100e-01, v16  }
0xce: {  	v19 =	vadd.f32 $3.269731100e-01, v19;
	v22 =	vmul.f32 v22, v50;
	v24 =	vadd.f32 $-4.992065730e-01, v24  }
0xcf: {  	v13 =	vmul.f32 v13, v39;
	v14 =	vadd.f32 $-4.992065730e-01, v14;
	v20 =	vadd.f32 $3.269731100e-01, v20  }
0xd0: {  	v19 =	vmul.f32 v19, v47;
	v22 =	vadd.f32 $-4.992065730e-01, v22;
	v24 =	vmul.f32 v24, v52  }
0xd1: {  	v17 =	vmul.f32 v17, v40;
	v13 =	vadd.f32 $-4.992065730e-01, v13;
	v20 =	vmul.f32 v20, v44  }
0xd2: {  	v19 =	vadd.f32 $-4.992065730e-01, v19;
	v22 =	vmul.f32 v22, v50;
	v24 =	vadd.f32 $9.999575010e-01, v24  }
0xd3: {  	v16 =	vmul.f32 v16, v41;
	v14 =	vmul.f32 v14, v38;
	v20 =	vadd.f32 $-4.992065730e-01, v20  }
0xd4: {  	v19 =	vmul.f32 v19, v47;
	v22 =	vadd.f32 $9.999575010e-01, v22;
	v23 =	vmul.f32 v24, v52  }
0xd5: {  	v54 =	vld [tilespmem:s21+$0x2200];
	v17 =	vadd.f32 $-4.992065730e-01, v17;
	v16 =	vadd.f32 $-4.992065730e-01, v16;
	v20 =	vmul.f32 v20, v44  }
0xd6: {  	v19 =	vadd.f32 $9.999575010e-01, v19;
	v21 =	vmul.f32 v22, v50;
	v23 =	vadd.f32 $5.621959080e-07, v23  }
0xd7: {  	v55 =	vld [tilespmem:s21+$0x2210];
	v13 =	vmul.f32 v13, v39;
	v16 =	vmul.f32 v16, v41;
	v20 =	vadd.f32 $9.999575010e-01, v20  }
0xd8: {  	v18 =	vmul.f32 v19, v47;
	v21 =	vadd.f32 $5.621959080e-07, v21;
	v7 =	vadd.f32 v23, v7  }
0xd9: {  	v56 =	vld [tilespmem:s21+$0x2220];
	v17 =	vmul.f32 v17, v40;
	v16 =	vadd.f32 $9.999575010e-01, v16;
	v15 =	vmul.f32 v20, v44  }
0xda: {  	v18 =	vadd.f32 $5.621959080e-07, v18;
	v8 =	vadd.f32 v21, v8;
	v7 =	vmul.f32 v7, v54  }
0xdb: {  	v57 =	vld [tilespmem:s21+$0x2230];
	v58 =	vadd.f32 $9.999575010e-01, v17;
	v12 =	vmul.f32 v16, v41;
	v15 =	vadd.f32 $5.621959080e-07, v15  }
0xdc: {  	v6 =	vadd.f32 v18, v6;
	v8 =	vmul.f32 v8, v55;
	v7 =	vadd.f32 v7, v10  }
0xdd: {  	v59 =	vld [tilespmem:s21+$0x2240];
	v13 =	vadd.f32 $9.999575010e-01, v13;
	v11 =	vmul.f32 v58, v40;
	v12 =	vadd.f32 $5.621959080e-07, v12  }
0xde: {  	v3 =	vadd.f32 v15, v3;
	v6 =	vmul.f32 v6, v56;
	v7 =	vadd.f32 v8, v7  }
0xdf: {  	v60 =	vld [tilespmem:s21+$0x2250];
	v61 =	vadd.f32 $9.999575010e-01, v14;
	v9 =	vmul.f32 v13, v39;
	v11 =	vadd.f32 $5.621959080e-07, v11  }
0xe0: {  	v4 =	vadd.f32 v12, v4;
	v3 =	vmul.f32 v3, v57;
	v6 =	vadd.f32 v6, v7  }
0xe1: {  	v2 =	vmax.f32 v2, $0.0e+00;
	v62 =	vld [tilespmem:s21+$0x2260];
	v5 =	vmul.f32 v61, v38;
	v9 =	vadd.f32 $5.621959080e-07, v9  }
0xe2: {  	v2 =	vadd.f32 v11, v2;
	v4 =	vmul.f32 v4, v59;
	v3 =	vadd.f32 v3, v6  }
0xe3: {  	v1 =	vmax.f32 v1, $0.0e+00;
	v63 =	vld [tilespmem:s21+$0x2270];
	v5 =	vadd.f32 $5.621959080e-07, v5  }
0xe4: {  	v1 =	vadd.f32 v9, v1;
	v2 =	vmul.f32 v2, v60;
	v3 =	vadd.f32 v4, v3  }
0xe5: {  	v0 =	vmax.f32 v0, $0.0e+00  }
0xe6: {  	v0 =	vadd.f32 v5, v0;
	v1 =	vmul.f32 v1, v62;
	v2 =	vadd.f32 v2, v3;
	_ =	sdelay $0x1  }
0xe7: {  	v0 =	vmul.f32 v0, v63;
	v1 =	vadd.f32 v1, v2;
	_ =	sdelay $0x1  }
0xe8: {  	s20 =	sadd.s32 $0x1, s20;
	v0 =	vadd.f32 v0, v1  }
0xe9: {  	p0 =	sne.s32 s20, s7  }
.Ltmp1:
0xea: {  	[tilespmem:$0x4200] =	vst v0;
	(pc) =	sbr.rel @p0 .LBB2_1-.Ltmp1, $4  }
0xeb: {  	[hbm4b:s6+s2] =	stream.linear.scatter [tilespmem:s19], [sflag:$0x3], $0x10, $0x38;
	[tilespmem:$0x4210] =	vst v63  }
0xec: {  	_ =	swait.ge [sflag:s8], $0x10  }
0xed: {  	[sflag:s8] =	ssyncset.done $0x0  }
0xee: {  	[sflag:s8] =	ssyncadd.s32 $0xFFFFFFF0  }
0xef: {  	_ =	sfence.sel $0x180000  }
0xf0: {  	[bflag:$0x0] =	sbarrier.arrive $0xFFFF  }
0xf1: {  	p0 =	sne.s32 s0, $0x0;
	_ =	strace $0x90000047  }
0xf2: {  	s0 =	sadd.s32 @!p0 $0x100000, s1;
	[bflag:$0x2] =	sbarrier.arrive $0xFFFF  }
0xf3: {  	[sflag:s0] =	ssyncadd.tile.s32 @!p0 $0x1;
	_ =	shalt  }
.Lfunc_end2:
_tile_overlayer_lowered:
.L_overlay_start_2:
0xf4: {  	(tag) =	ssettag $0x2  }
0xf5: {  	s0 =	rddreg [dreg:$0x0];
	s2 =	stileid.u32  }
0xf6: {  	s1 =	rddreg [dreg:$0x1];
	p0 =	sne.s32 s2, $0x0  }
0xf7: {  	s3 =	rddreg [dreg:$0x2];
	[bflag:$0x3] =	sbarrier.arrive $0xFFFF;
	s2 =	simm.s32 @!p0 $0x1C03  }
0xf8: {  	[timem:s3], [sflag:s2] =	dma.local @!p0 [hbm:s0], s1  }
0xf9: {  	s0 =	simm.s32 @!p0 $0x3  }
0xfa: {  	_ =	swait.ge @!p0 [sflag:s0], s1  }
0xfb: {  	s1 =	ssub.s32 @!p0 $0x0, s1;
	[sflag:s0] =	ssyncset.done @!p0 $0x0  }
0xfc: {  	[sflag:s0] =	ssyncadd.s32 @!p0 s1  }
0xfd: {  	[bflag:$0x3] =	sbarrier.arrive $0xFFFF  }
0xfe: {  	_ =	shalt  }

</sc_bundles>
